<compile_context>
chip_gen: v7x
topology: tpu7x:2x2x1
jax: 0.10.2.dev20260603
libtpu: 0.0.44.dev20260713+nightly
codegen_flags: <defaults>
</compile_context>

<pallas_src>
import functools

import jax
import jax.numpy as jnp
from jax import lax
from jax.experimental import pallas as pl
from jax.experimental.pallas import tpu as pltpu
from jax.experimental.pallas import tpu_sc as plsc

N_SMPS = 16384
D_IN = 128
N_LAYERS = 5
GROWTH = 5
D_EMBED = 2
N_FCNS = 250
K = 5
D_OUT = 2

HW = 160
NFP = 256
BLK = 4096

NW = 32
LQ = 16
SPL = NFP * LQ
NHALF = N_SMPS // 2


def _dot(a, b, precision=None, dims=(((1,), (0,)), ((), ()))):
    return jax.lax.dot_general(a, b, dims, precision=precision,
                               preferred_element_type=jnp.float32)


def _dense_body(x_ref, w0_ref, w1_ref, w2_ref, w3_ref, w4_ref, ow_ref, ob_ref,
                ctrs_ref, xe8_ref, xet_ref, ctspl_ref, hbuf, wcat):
    nb = x_ref.shape[0]
    bf = jnp.bfloat16
    f32 = jnp.float32

    @pl.when(pl.program_id(0) == 0)
    def _():
        wcat[:, :] = jnp.zeros((HW, 48), f32)
        wcat[:D_IN, 0:GROWTH] = w0_ref[:]
        wcat[:D_IN + GROWTH, 8:8 + GROWTH] = w1_ref[:]
        wcat[:D_IN + 2 * GROWTH, 16:16 + GROWTH] = w2_ref[:]
        wcat[:D_IN + 3 * GROWTH, 24:24 + GROWTH] = w3_ref[:]
        wcat[:D_IN + 4 * GROWTH, 32:32 + GROWTH] = w4_ref[:]
        wcat[:D_IN + 5 * GROWTH, 40:40 + D_EMBED] = ow_ref[:]

    hbuf[:, :D_IN] = x_ref[:]
    hbuf[:, D_IN:] = jnp.zeros((nb, HW - D_IN), f32)
    for i in range(N_LAYERS):
        w = wcat[:, 8 * i:8 * i + 8]
        z = _dot(hbuf[:].astype(bf), w.astype(bf))
        t = jnp.tanh(z).astype(bf).astype(f32)
        if i == 0:
            hbuf[:, :D_IN] = x_ref[:].astype(bf).astype(f32)
        hbuf[:, D_IN + GROWTH * i:D_IN + GROWTH * i + 8] = t
    xe2 = _dot(hbuf[:].astype(bf), wcat[:, 40:48].astype(bf))
    xe2 = xe2 + jnp.concatenate(
        [ob_ref[:], jnp.zeros((1, 6), f32)], axis=1)
    xe0 = xe2[:, 0:1]
    xe1 = xe2[:, 1:2]
    xe0h = xe0.astype(bf).astype(f32)
    xe1h = xe1.astype(bf).astype(f32)
    zc = jnp.zeros((nb, 1), f32)
    xe8 = jnp.concatenate([xe0, xe1, xe0h, xe1h, zc, zc, zc, zc], axis=1)
    xe8_ref[:] = xe8
    xet_ref[:] = jax.lax.transpose(xe8, (1, 0))

    @pl.when(pl.program_id(0) == 0)
    def _():
        cT = ctrs_ref[:]
        c0 = cT[:, 0:1]
        c1 = cT[:, 1:2]
        sc = c0 * c0 + c1 * c1
        cols = jnp.concatenate(
            [-2.0 * c0.astype(bf).astype(f32),
             -2.0 * c1.astype(bf).astype(f32), sc],
            axis=1)
        pad = jnp.concatenate(
            [jnp.zeros((NFP - N_FCNS, 2), f32),
             jnp.full((NFP - N_FCNS, 1), jnp.inf, f32)], axis=1)
        colsp = jnp.concatenate([cols, pad], axis=0)
        ctspl_ref[:] = jnp.concatenate(
            [jnp.broadcast_to(colsp[:, p:p + 1], (NFP, LQ)) for p in range(3)],
            axis=0)


def _make_sc_body(nrows):
    rpw = nrows // NW
    ng = rpw // LQ

    def _sc_body(xe_hbm, ct_hbm, idx_hbm, xe0_v, xe1_v, xe0h_v, xe1h_v, ct_v,
                 i0_v, i1_v, i2_v, i3_v, i4_v):
        wid = lax.axis_index("s") * 2 + lax.axis_index("c")
        base = wid * rpw
        pltpu.sync_copy(xe_hbm.at[pl.ds(base, rpw)], xe0_v)
        pltpu.sync_copy(xe_hbm.at[pl.ds(nrows + base, rpw)], xe1_v)
        pltpu.sync_copy(xe_hbm.at[pl.ds(2 * nrows + base, rpw)], xe0h_v)
        pltpu.sync_copy(xe_hbm.at[pl.ds(3 * nrows + base, rpw)], xe1h_v)
        pltpu.sync_copy(ct_hbm, ct_v)
        inf = jnp.float32(jnp.inf)

        def insert(c, f2, off):
            m0, m1, m2, m3, m4, i0, i1, i2, i3, i4, sx, xe0h, xe1h = c
            fo = f2 * LQ + off * LQ
            p0f = ct_v[pl.ds(fo, LQ)]
            p1f = ct_v[pl.ds(SPL + fo, LQ)]
            scf = ct_v[pl.ds(2 * SPL + fo, LQ)]
            fs = jnp.zeros((LQ,), jnp.int32) + (f2 + off)
            v = (sx + (xe0h * p0f + xe1h * p1f)) + scf
            b0 = v < m0
            b1 = v < m1
            b2 = v < m2
            b3 = v < m3
            b4 = v < m4
            n0 = jnp.minimum(m0, v)
            n1 = jnp.minimum(m1, jnp.maximum(m0, v))
            n2 = jnp.minimum(m2, jnp.maximum(m1, v))
            n3 = jnp.minimum(m3, jnp.maximum(m2, v))
            n4 = jnp.minimum(m4, jnp.maximum(m3, v))
            j0 = jnp.where(b0, fs, i0)
            j1 = jnp.where(b1, jnp.where(b0, i0, fs), i1)
            j2 = jnp.where(b2, jnp.where(b1, i1, fs), i2)
            j3 = jnp.where(b3, jnp.where(b2, i2, fs), i3)
            j4 = jnp.where(b4, jnp.where(b3, i3, fs), i4)
            return (n0, n1, n2, n3, n4, j0, j1, j2, j3, j4, sx, xe0h, xe1h)

        def group_body(g, carry_out):
            gsl = pl.ds(g * LQ, LQ)
            xe0 = xe0_v[gsl]
            xe1 = xe1_v[gsl]
            xe0h = xe0h_v[gsl]
            xe1h = xe1h_v[gsl]
            sx = xe0 * xe0 + xe1 * xe1

            def fcn_body(fi, c):
                return insert(insert(c, fi * 2, 0), fi * 2, 1)

            init = tuple(jnp.full((LQ,), inf) for _ in range(K)) + \
                tuple(jnp.zeros((LQ,), jnp.int32) for _ in range(K)) + \
                (sx, xe0h, xe1h)
            res = lax.fori_loop(0, N_FCNS // 2, fcn_body, init)
            sl = pl.ds(g * LQ, LQ)
            i0_v[sl] = res[5]
            i1_v[sl] = res[6]
            i2_v[sl] = res[7]
            i3_v[sl] = res[8]
            i4_v[sl] = res[9]
            return carry_out

        lax.fori_loop(0, ng, group_body, 0)
        pltpu.sync_copy(i0_v, idx_hbm.at[pl.ds(base, rpw)])
        pltpu.sync_copy(i1_v, idx_hbm.at[pl.ds(nrows + base, rpw)])
        pltpu.sync_copy(i2_v, idx_hbm.at[pl.ds(2 * nrows + base, rpw)])
        pltpu.sync_copy(i3_v, idx_hbm.at[pl.ds(3 * nrows + base, rpw)])
        pltpu.sync_copy(i4_v, idx_hbm.at[pl.ds(4 * nrows + base, rpw)])

    return _sc_body


def _combine_body(idx_ref, xe8_ref, w4_ref, off_ref, ctrs_ref, out_ref):
    nb = out_ref.shape[0]
    f32 = jnp.float32
    fio = jax.lax.broadcasted_iota(jnp.int32, (NFP, nb), 0)
    eq = (fio == idx_ref[0:1, :])
    for k in range(1, K):
        eq = eq | (fio == idx_ref[k:k + 1, :])
    m = eq.astype(f32)
    w00 = w4_ref[:, 0:1]
    w01 = w4_ref[:, 1:2]
    w10 = w4_ref[:, 2:3]
    w11 = w4_ref[:, 3:4]
    o0 = off_ref[:, 0:1]
    o1 = off_ref[:, 1:2]
    cc0 = ctrs_ref[:, 0:1]
    cc1 = ctrs_ref[:, 1:2]
    zc = jnp.zeros((N_FCNS, 1), f32)
    cmat = jnp.concatenate(
        [o0 - cc0 * w00 - cc1 * w10, o1 - cc0 * w01 - cc1 * w11,
         w00, w01, w10, w11, zc, zc], axis=1)
    cmat = jnp.concatenate([cmat, jnp.zeros((NFP - N_FCNS, 8), f32)], axis=0)
    r = _dot(m, cmat, precision=jax.lax.Precision.HIGHEST,
             dims=(((0,), (0,)), ((), ())))
    xe0 = xe8_ref[:, 0:1]
    xe1 = xe8_ref[:, 1:2]
    out0 = r[:, 0:1] + xe0 * r[:, 2:3] + xe1 * r[:, 4:5]
    out1 = r[:, 1:2] + xe0 * r[:, 3:4] + xe1 * r[:, 5:6]
    out_ref[:] = jnp.concatenate([out0, out1], axis=1)


def _half_pipeline(x, half, ws, out_w, ob2, ctrs, w4, offsets):
    nrows = NHALF
    rpw = nrows // NW
    off = half * (nrows // BLK)
    xe8, xet, ctspl = pl.pallas_call(
        _dense_body,
        grid=(nrows // BLK,),
        in_specs=[
            pl.BlockSpec((BLK, D_IN), lambda i, o=off: (i + o, 0)),
            pl.BlockSpec((D_IN, GROWTH), lambda i: (0, 0)),
            pl.BlockSpec((D_IN + GROWTH, GROWTH), lambda i: (0, 0)),
            pl.BlockSpec((D_IN + 2 * GROWTH, GROWTH), lambda i: (0, 0)),
            pl.BlockSpec((D_IN + 3 * GROWTH, GROWTH), lambda i: (0, 0)),
            pl.BlockSpec((D_IN + 4 * GROWTH, GROWTH), lambda i: (0, 0)),
            pl.BlockSpec((D_IN + 5 * GROWTH, D_EMBED), lambda i: (0, 0)),
            pl.BlockSpec((1, D_EMBED), lambda i: (0, 0)),
            pl.BlockSpec((N_FCNS, D_EMBED), lambda i: (0, 0)),
        ],
        out_specs=[
            pl.BlockSpec((BLK, 8), lambda i: (i, 0)),
            pl.BlockSpec((8, BLK), lambda i: (0, i)),
            pl.BlockSpec((3 * NFP, LQ), lambda i: (0, 0)),
        ],
        out_shape=[
            jax.ShapeDtypeStruct((nrows, 8), jnp.float32),
            jax.ShapeDtypeStruct((8, nrows), jnp.float32),
            jax.ShapeDtypeStruct((3 * NFP, LQ), jnp.float32),
        ],
        scratch_shapes=[pltpu.VMEM((BLK, HW), jnp.float32),
                        pltpu.VMEM((HW, 48), jnp.float32)],
    )(x, *ws, out_w, ob2, ctrs)

    mesh = plsc.VectorSubcoreMesh(core_axis_name="c", subcore_axis_name="s")
    sc_knn = functools.partial(
        pl.kernel,
        mesh=mesh,
        out_type=jax.ShapeDtypeStruct((8 * nrows,), jnp.int32),
        scratch_types=[
            pltpu.VMEM((rpw,), jnp.float32),
            pltpu.VMEM((rpw,), jnp.float32),
            pltpu.VMEM((rpw,), jnp.float32),
            pltpu.VMEM((rpw,), jnp.float32),
            pltpu.VMEM((3 * SPL,), jnp.float32),
            pltpu.VMEM((rpw,), jnp.int32),
            pltpu.VMEM((rpw,), jnp.int32),
            pltpu.VMEM((rpw,), jnp.int32),
            pltpu.VMEM((rpw,), jnp.int32),
            pltpu.VMEM((rpw,), jnp.int32),
        ],
    )(_make_sc_body(nrows))
    idx = sc_knn(xet.reshape(8 * nrows), ctspl.reshape(3 * SPL)).reshape(8, nrows)

    return pl.pallas_call(
        _combine_body,
        grid=(nrows // BLK,),
        in_specs=[
            pl.BlockSpec((8, BLK), lambda i: (0, i)),
            pl.BlockSpec((BLK, 8), lambda i: (i, 0)),
            pl.BlockSpec((N_FCNS, 4), lambda i: (0, 0)),
            pl.BlockSpec((N_FCNS, D_EMBED), lambda i: (0, 0)),
            pl.BlockSpec((N_FCNS, D_EMBED), lambda i: (0, 0)),
        ],
        out_specs=pl.BlockSpec((BLK, D_OUT), lambda i: (i, 0)),
        out_shape=jax.ShapeDtypeStruct((nrows, D_OUT), jnp.float32),
    )(idx, xe8, w4, offsets, ctrs)


@jax.jit
def kernel(x, dense_w0, dense_w1, dense_w2, dense_w3, dense_w4, out_w, out_b,
           ctrs, wts, offsets):
    ws = (dense_w0, dense_w1, dense_w2, dense_w3, dense_w4)
    ob2 = out_b.reshape(1, D_EMBED)
    w4 = wts.reshape(N_FCNS, 4)
    out_a = _half_pipeline(x, 0, ws, out_w, ob2, ctrs, w4, offsets)
    out_b_ = _half_pipeline(x, 1, ws, out_w, ob2, ctrs, w4, offsets)
    return jnp.concatenate([out_a, out_b_], axis=0)

# --- scband reference (transcript-rebuilt; emitter-appended) ---
"""Pipeline reference for scband-dense-net-pwlnn-53171695125391 (READ-ONLY COPY).

The authoritative reference and input builder live on the scoring server;
editing this copy changes nothing except your own understanding.
"""

import jax, jax.numpy as jnp
import numpy as np

N_SMPS = 16384
D_IN = 128
N_LAYERS = 5
GROWTH = 5
D_EMBED = 2
N_FCNS = 250
K = 5
D_OUT = 2


def setup_inputs(seed: int = 0) -> dict:
    key = jax.random.key(seed)
    keys = jax.random.split(key, 16)
    inp = {}
    inp["x"] = jax.random.normal(keys[0], (N_SMPS, D_IN), dtype=jnp.float32)
    # DenseLNLNet linear weights (no bias): layer i maps (D_IN + i*GROWTH) -> GROWTH
    for i in range(N_LAYERS):
        fan_in = D_IN + i * GROWTH
        inp[f"dense_w{i}"] = jax.random.normal(keys[1 + i], (fan_in, GROWTH), dtype=jnp.float32) * (1.0 / np.sqrt(fan_in))
    d_dense_out = D_IN + N_LAYERS * GROWTH
    inp["out_w"] = jax.random.normal(keys[6], (d_dense_out, D_EMBED), dtype=jnp.float32) * (1.0 / np.sqrt(d_dense_out))
    inp["out_b"] = jnp.zeros((D_EMBED,), dtype=jnp.float32)
    # PWLNN parameters
    inp["ctrs"] = jax.random.normal(keys[7], (N_FCNS, D_EMBED), dtype=jnp.float32)
    inp["wts"] = jax.random.normal(keys[8], (N_FCNS, D_EMBED, D_OUT), dtype=jnp.float32) * 1e-3
    inp["offsets"] = jax.random.normal(keys[9], (N_FCNS, D_OUT), dtype=jnp.float32) * 1e-3
    return inp


def reference(x, dense_w0, dense_w1, dense_w2, dense_w3, dense_w4, out_w, out_b, ctrs, wts, offsets):
    # DenseLNLNet: densely connected linear + tanh layers
    h = x
    for w in (dense_w0, dense_w1, dense_w2, dense_w3, dense_w4):
        h = jnp.concatenate([h, jnp.tanh(h @ w)], axis=1)
    x_enc = h @ out_w + out_b  # [N, D_EMBED]

    # knn_do: nearest centers by squared euclidean distance (no grad through knn)
    xe = jax.lax.stop_gradient(x_enc)
    cs = jax.lax.stop_gradient(ctrs)
    d2 = jnp.sum(xe * xe, axis=1, keepdims=True) - 2.0 * (xe @ cs.T) + jnp.sum(cs * cs, axis=1)[None, :]  # [N, N_FCNS]
    _, idx = jax.lax.top_k(-d2, K)  # [N, K]
    top_k_indices = idx.T  # [K, N]

    selected_wts = wts[top_k_indices]        # [K, N, D_EMBED, D_OUT]
    selected_ctrs = ctrs[top_k_indices]      # [K, N, D_EMBED]
    applied_wts = jnp.sum(selected_wts, axis=0)  # [N, D_EMBED, D_OUT]
    applied_offsets = jnp.sum(offsets[top_k_indices], axis=0) - jnp.sum(jnp.sum(selected_wts * selected_ctrs[..., None], axis=0), axis=1)  # [N, D_OUT]
    return jnp.sum(applied_wts * x_enc[:, :, None], axis=1) + applied_offsets  # [N, D_OUT]

if __name__ == "__main__":
    import jax
    _d = setup_inputs()
    print(jax.jit(kernel)(*tuple(_d.values())))

</pallas_src>

<mosaic_0001>
#map = affine_map<(d0, d1) -> (0)>
module attributes {stable_mosaic.version = 14 : i64} {
  func.func @_sc_body(%arg0: i32, %arg1: i32, %arg2: memref<65536xf32, #tpu.memory_space<hbm>>, %arg3: memref<12288xf32, #tpu.memory_space<hbm>>, %arg4: memref<65536xi32, #tpu.memory_space<hbm>>, %arg5: memref<256xf32, #tpu.memory_space<vmem>>, %arg6: memref<256xf32, #tpu.memory_space<vmem>>, %arg7: memref<256xf32, #tpu.memory_space<vmem>>, %arg8: memref<256xf32, #tpu.memory_space<vmem>>, %arg9: memref<12288xf32, #tpu.memory_space<vmem>>, %arg10: memref<256xi32, #tpu.memory_space<vmem>>, %arg11: memref<256xi32, #tpu.memory_space<vmem>>, %arg12: memref<256xi32, #tpu.memory_space<vmem>>, %arg13: memref<256xi32, #tpu.memory_space<vmem>>, %arg14: memref<256xi32, #tpu.memory_space<vmem>>) attributes {dimension_semantics = [#tpu.dimension_semantics<core_parallel>, #tpu.dimension_semantics<subcore_parallel>], iteration_bounds = array<i64: 2, 16>, scalar_prefetch = 0 : i64, scratch_operands = 10 : i64, tpu.core_type = #tpu.core_type<sc_vector_subcore>, window_params = [{transform_indices = #map}, {transform_indices = #map}, {transform_indices = #map}]} {
    %mul3A = arith.constant 2 : i32
    %mul3A_0 = arith.muli %arg1, %mul3A : i32
    %add3A = arith.addi %mul3A_0, %arg0 : i32
    %mul3A_1 = arith.constant 256 : i32
    %mul3A_2 = arith.muli %add3A, %mul3A_1 : i32
    "tpu.region"() ({
      %run_scoped3A = tpu.sem_alloc : memref<!tpu.dma_semaphore, #tpu.memory_space<semaphore_mem>>
      %dma_start3A = tpu.memref_slice %arg2[%mul3A_2] : memref<65536xf32, #tpu.memory_space<hbm>> -> memref<256xf32, #tpu.memory_space<hbm>>
      %dma_start3A_23 = tpu.memref_slice %arg2[%mul3A_2] : memref<65536xf32, #tpu.memory_space<hbm>> -> memref<256xf32, #tpu.memory_space<hbm>>
      tpu.enqueue_dma source(%dma_start3A_23 : memref<256xf32, #tpu.memory_space<hbm>>) target(%arg5 : memref<256xf32, #tpu.memory_space<vmem>>) target_semaphore(%run_scoped3A : memref<!tpu.dma_semaphore, #tpu.memory_space<semaphore_mem>>)
      %dma_wait3A = tpu.memref_slice %arg2[%mul3A_2] : memref<65536xf32, #tpu.memory_space<hbm>> -> memref<256xf32, #tpu.memory_space<hbm>>
      %dma_wait3A_24 = tpu.memref_slice %arg2[%mul3A_2] : memref<65536xf32, #tpu.memory_space<hbm>> -> memref<256xf32, #tpu.memory_space<hbm>>
      tpu.wait_dma2 semaphore(%run_scoped3A : memref<!tpu.dma_semaphore, #tpu.memory_space<semaphore_mem>>) src(%dma_wait3A_24 : memref<256xf32, #tpu.memory_space<hbm>>) dst(%arg5 : memref<256xf32, #tpu.memory_space<vmem>>)
      tpu.yield
    }) : () -> ()
    %add3A_3 = arith.constant 8192 : i32
    %add3A_4 = arith.addi %add3A_3, %mul3A_2 : i32
    "tpu.region"() ({
      %run_scoped3A = tpu.sem_alloc : memref<!tpu.dma_semaphore, #tpu.memory_space<semaphore_mem>>
      %dma_start3A = tpu.memref_slice %arg2[%add3A_4] : memref<65536xf32, #tpu.memory_space<hbm>> -> memref<256xf32, #tpu.memory_space<hbm>>
      %dma_start3A_23 = tpu.memref_slice %arg2[%add3A_4] : memref<65536xf32, #tpu.memory_space<hbm>> -> memref<256xf32, #tpu.memory_space<hbm>>
      tpu.enqueue_dma source(%dma_start3A_23 : memref<256xf32, #tpu.memory_space<hbm>>) target(%arg6 : memref<256xf32, #tpu.memory_space<vmem>>) target_semaphore(%run_scoped3A : memref<!tpu.dma_semaphore, #tpu.memory_space<semaphore_mem>>)
      %dma_wait3A = tpu.memref_slice %arg2[%add3A_4] : memref<65536xf32, #tpu.memory_space<hbm>> -> memref<256xf32, #tpu.memory_space<hbm>>
      %dma_wait3A_24 = tpu.memref_slice %arg2[%add3A_4] : memref<65536xf32, #tpu.memory_space<hbm>> -> memref<256xf32, #tpu.memory_space<hbm>>
      tpu.wait_dma2 semaphore(%run_scoped3A : memref<!tpu.dma_semaphore, #tpu.memory_space<semaphore_mem>>) src(%dma_wait3A_24 : memref<256xf32, #tpu.memory_space<hbm>>) dst(%arg6 : memref<256xf32, #tpu.memory_space<vmem>>)
      tpu.yield
    }) : () -> ()
    %add3A_5 = arith.constant 16384 : i32
    %add3A_6 = arith.addi %add3A_5, %mul3A_2 : i32
    "tpu.region"() ({
      %run_scoped3A = tpu.sem_alloc : memref<!tpu.dma_semaphore, #tpu.memory_space<semaphore_mem>>
      %dma_start3A = tpu.memref_slice %arg2[%add3A_6] : memref<65536xf32, #tpu.memory_space<hbm>> -> memref<256xf32, #tpu.memory_space<hbm>>
      %dma_start3A_23 = tpu.memref_slice %arg2[%add3A_6] : memref<65536xf32, #tpu.memory_space<hbm>> -> memref<256xf32, #tpu.memory_space<hbm>>
      tpu.enqueue_dma source(%dma_start3A_23 : memref<256xf32, #tpu.memory_space<hbm>>) target(%arg7 : memref<256xf32, #tpu.memory_space<vmem>>) target_semaphore(%run_scoped3A : memref<!tpu.dma_semaphore, #tpu.memory_space<semaphore_mem>>)
      %dma_wait3A = tpu.memref_slice %arg2[%add3A_6] : memref<65536xf32, #tpu.memory_space<hbm>> -> memref<256xf32, #tpu.memory_space<hbm>>
      %dma_wait3A_24 = tpu.memref_slice %arg2[%add3A_6] : memref<65536xf32, #tpu.memory_space<hbm>> -> memref<256xf32, #tpu.memory_space<hbm>>
      tpu.wait_dma2 semaphore(%run_scoped3A : memref<!tpu.dma_semaphore, #tpu.memory_space<semaphore_mem>>) src(%dma_wait3A_24 : memref<256xf32, #tpu.memory_space<hbm>>) dst(%arg7 : memref<256xf32, #tpu.memory_space<vmem>>)
      tpu.yield
    }) : () -> ()
    %add3A_7 = arith.constant 24576 : i32
    %add3A_8 = arith.addi %add3A_7, %mul3A_2 : i32
    "tpu.region"() ({
      %run_scoped3A = tpu.sem_alloc : memref<!tpu.dma_semaphore, #tpu.memory_space<semaphore_mem>>
      %dma_start3A = tpu.memref_slice %arg2[%add3A_8] : memref<65536xf32, #tpu.memory_space<hbm>> -> memref<256xf32, #tpu.memory_space<hbm>>
      %dma_start3A_23 = tpu.memref_slice %arg2[%add3A_8] : memref<65536xf32, #tpu.memory_space<hbm>> -> memref<256xf32, #tpu.memory_space<hbm>>
      tpu.enqueue_dma source(%dma_start3A_23 : memref<256xf32, #tpu.memory_space<hbm>>) target(%arg8 : memref<256xf32, #tpu.memory_space<vmem>>) target_semaphore(%run_scoped3A : memref<!tpu.dma_semaphore, #tpu.memory_space<semaphore_mem>>)
      %dma_wait3A = tpu.memref_slice %arg2[%add3A_8] : memref<65536xf32, #tpu.memory_space<hbm>> -> memref<256xf32, #tpu.memory_space<hbm>>
      %dma_wait3A_24 = tpu.memref_slice %arg2[%add3A_8] : memref<65536xf32, #tpu.memory_space<hbm>> -> memref<256xf32, #tpu.memory_space<hbm>>
      tpu.wait_dma2 semaphore(%run_scoped3A : memref<!tpu.dma_semaphore, #tpu.memory_space<semaphore_mem>>) src(%dma_wait3A_24 : memref<256xf32, #tpu.memory_space<hbm>>) dst(%arg8 : memref<256xf32, #tpu.memory_space<vmem>>)
      tpu.yield
    }) : () -> ()
    "tpu.region"() ({
      %run_scoped3A = tpu.sem_alloc : memref<!tpu.dma_semaphore, #tpu.memory_space<semaphore_mem>>
      tpu.enqueue_dma source(%arg3 : memref<12288xf32, #tpu.memory_space<hbm>>) target(%arg9 : memref<12288xf32, #tpu.memory_space<vmem>>) target_semaphore(%run_scoped3A : memref<!tpu.dma_semaphore, #tpu.memory_space<semaphore_mem>>)
      tpu.wait_dma2 semaphore(%run_scoped3A : memref<!tpu.dma_semaphore, #tpu.memory_space<semaphore_mem>>) src(%arg3 : memref<12288xf32, #tpu.memory_space<hbm>>) dst(%arg9 : memref<12288xf32, #tpu.memory_space<vmem>>)
      tpu.yield
    }) : () -> ()
    %scan3A = arith.constant 0 : i32
    %scan3A_9 = arith.constant 0x7F800000 : f32
    %scan3A_10 = arith.constant 0 : i32
    %scan3A_11 = arith.constant 16 : i32
    %scan3A_12 = arith.addi %scan3A_10, %scan3A_11 : i32
    %scan3A_13 = arith.constant 1 : i32
    scf.for %scan3A_23 = %scan3A_10 to %scan3A_12 step %scan3A_13  : i32 {
      %mul3A_24 = arith.constant 16 : i32
      %mul3A_25 = arith.muli %scan3A_23, %mul3A_24 : i32
      %get3A = arith.index_cast %mul3A_25 : i32 to index
      %get3A_26 = tpu.vector_load %arg5[%get3A] {strides = array<i32>} : memref<256xf32, #tpu.memory_space<vmem>>, vector<16xf32>,
      %get3A_27 = vector.shape_cast %get3A_26 : vector<16xf32> to vector<16xf32>
      %get3A_28 = arith.index_cast %mul3A_25 : i32 to index
      %get3A_29 = tpu.vector_load %arg6[%get3A_28] {strides = array<i32>} : memref<256xf32, #tpu.memory_space<vmem>>, vector<16xf32>,
      %get3A_30 = vector.shape_cast %get3A_29 : vector<16xf32> to vector<16xf32>
      %get3A_31 = arith.index_cast %mul3A_25 : i32 to index
      %get3A_32 = tpu.vector_load %arg7[%get3A_31] {strides = array<i32>} : memref<256xf32, #tpu.memory_space<vmem>>, vector<16xf32>,
      %get3A_33 = vector.shape_cast %get3A_32 : vector<16xf32> to vector<16xf32>
      %get3A_34 = arith.index_cast %mul3A_25 : i32 to index
      %get3A_35 = tpu.vector_load %arg8[%get3A_34] {strides = array<i32>} : memref<256xf32, #tpu.memory_space<vmem>>, vector<16xf32>,
      %get3A_36 = vector.shape_cast %get3A_35 : vector<16xf32> to vector<16xf32>
      %mul3A_37 = arith.mulf %get3A_27, %get3A_27 : vector<16xf32>
      %mul3A_38 = arith.mulf %get3A_30, %get3A_30 : vector<16xf32>
      %add3A_39 = arith.addf %mul3A_37, %mul3A_38 : vector<16xf32>
      %broadcast_in_dim3A = vector.broadcast %scan3A_9 : f32 to vector<16xf32>
      %broadcast_in_dim3A_40 = vector.broadcast %scan3A_9 : f32 to vector<16xf32>
      %broadcast_in_dim3A_41 = vector.broadcast %scan3A_9 : f32 to vector<16xf32>
      %broadcast_in_dim3A_42 = vector.broadcast %scan3A_9 : f32 to vector<16xf32>
      %broadcast_in_dim3A_43 = vector.broadcast %scan3A_9 : f32 to vector<16xf32>
      %broadcast_in_dim3A_44 = arith.constant 0 : i32
      %broadcast_in_dim3A_45 = vector.broadcast %broadcast_in_dim3A_44 : i32 to vector<16xi32>
      %broadcast_in_dim3A_46 = arith.constant 0 : i32
      %broadcast_in_dim3A_47 = vector.broadcast %broadcast_in_dim3A_46 : i32 to vector<16xi32>
      %broadcast_in_dim3A_48 = arith.constant 0 : i32
      %broadcast_in_dim3A_49 = vector.broadcast %broadcast_in_dim3A_48 : i32 to vector<16xi32>
      %broadcast_in_dim3A_50 = arith.constant 0 : i32
      %broadcast_in_dim3A_51 = vector.broadcast %broadcast_in_dim3A_50 : i32 to vector<16xi32>
      %broadcast_in_dim3A_52 = arith.constant 0 : i32
      %broadcast_in_dim3A_53 = vector.broadcast %broadcast_in_dim3A_52 : i32 to vector<16xi32>
      %scan3A_54 = arith.constant 0 : i32
      %scan3A_55 = arith.constant 125 : i32
      %scan3A_56 = arith.addi %scan3A_54, %scan3A_55 : i32
      %scan3A_57 = arith.constant 1 : i32
      %scan3A_58:10 = scf.for %scan3A_81 = %scan3A_54 to %scan3A_56 step %scan3A_57 iter_args(%scan3A_82 = %broadcast_in_dim3A, %scan3A_83 = %broadcast_in_dim3A_40, %scan3A_84 = %broadcast_in_dim3A_41, %scan3A_85 = %broadcast_in_dim3A_42, %scan3A_86 = %broadcast_in_dim3A_43, %scan3A_87 = %broadcast_in_dim3A_45, %scan3A_88 = %broadcast_in_dim3A_47, %scan3A_89 = %broadcast_in_dim3A_49, %scan3A_90 = %broadcast_in_dim3A_51, %scan3A_91 = %broadcast_in_dim3A_53) -> (vector<16xf32>, vector<16xf32>, vector<16xf32>, vector<16xf32>, vector<16xf32>, vector<16xi32>, vector<16xi32>, vector<16xi32>, vector<16xi32>, vector<16xi32>)  : i32 {
        %mul3A_92 = arith.constant 2 : i32
        %mul3A_93 = arith.muli %scan3A_81, %mul3A_92 : i32
        %mul3A_94 = arith.constant 16 : i32
        %mul3A_95 = arith.muli %mul3A_93, %mul3A_94 : i32
        %add3A_96 = arith.constant 0 : i32
        %add3A_97 = arith.addi %mul3A_95, %add3A_96 : i32
        %get3A_98 = arith.index_cast %add3A_97 : i32 to index
        %get3A_99 = tpu.vector_load %arg9[%get3A_98] {strides = array<i32>} : memref<12288xf32, #tpu.memory_space<vmem>>, vector<16xf32>,
        %get3A_100 = vector.shape_cast %get3A_99 : vector<16xf32> to vector<16xf32>
        %add3A_101 = arith.constant 4096 : i32
        %add3A_102 = arith.addi %add3A_101, %add3A_97 : i32
        %get3A_103 = arith.index_cast %add3A_102 : i32 to index
        %get3A_104 = tpu.vector_load %arg9[%get3A_103] {strides = array<i32>} : memref<12288xf32, #tpu.memory_space<vmem>>, vector<16xf32>,
        %get3A_105 = vector.shape_cast %get3A_104 : vector<16xf32> to vector<16xf32>
        %add3A_106 = arith.constant 8192 : i32
        %add3A_107 = arith.addi %add3A_106, %add3A_97 : i32
        %get3A_108 = arith.index_cast %add3A_107 : i32 to index
        %get3A_109 = tpu.vector_load %arg9[%get3A_108] {strides = array<i32>} : memref<12288xf32, #tpu.memory_space<vmem>>, vector<16xf32>,
        %get3A_110 = vector.shape_cast %get3A_109 : vector<16xf32> to vector<16xf32>
        %broadcast_in_dim3A_111 = arith.constant 0 : i32
        %broadcast_in_dim3A_112 = vector.broadcast %broadcast_in_dim3A_111 : i32 to vector<16xi32>
        %add3A_113 = arith.constant 0 : i32
        %add3A_114 = arith.addi %mul3A_93, %add3A_113 : i32
        %add3A_115 = vector.broadcast %add3A_114 : i32 to vector<16xi32>
        %add3A_116 = arith.addi %broadcast_in_dim3A_112, %add3A_115 : vector<16xi32>
        %mul3A_117 = arith.mulf %get3A_33, %get3A_100 : vector<16xf32>
        %mul3A_118 = arith.mulf %get3A_36, %get3A_105 : vector<16xf32>
        %add3A_119 = arith.addf %mul3A_117, %mul3A_118 : vector<16xf32>
        %add3A_120 = arith.addf %add3A_39, %add3A_119 : vector<16xf32>
        %add3A_121 = arith.addf %add3A_120, %get3A_110 : vector<16xf32>
        %lt3A = arith.cmpf olt, %add3A_121, %scan3A_82 : vector<16xf32>
        %lt3A_122 = arith.cmpf olt, %add3A_121, %scan3A_83 : vector<16xf32>
        %lt3A_123 = arith.cmpf olt, %add3A_121, %scan3A_84 : vector<16xf32>
        %lt3A_124 = arith.cmpf olt, %add3A_121, %scan3A_85 : vector<16xf32>
        %lt3A_125 = arith.cmpf olt, %add3A_121, %scan3A_86 : vector<16xf32>
        %min3A = arith.minimumf %scan3A_82, %add3A_121 : vector<16xf32>
        %max3A = arith.maximumf %scan3A_82, %add3A_121 : vector<16xf32>
        %min3A_126 = arith.minimumf %scan3A_83, %max3A : vector<16xf32>
        %max3A_127 = arith.maximumf %scan3A_83, %add3A_121 : vector<16xf32>
        %min3A_128 = arith.minimumf %scan3A_84, %max3A_127 : vector<16xf32>
        %max3A_129 = arith.maximumf %scan3A_84, %add3A_121 : vector<16xf32>
        %min3A_130 = arith.minimumf %scan3A_85, %max3A_129 : vector<16xf32>
        %max3A_131 = arith.maximumf %scan3A_85, %add3A_121 : vector<16xf32>
        %min3A_132 = arith.minimumf %scan3A_86, %max3A_131 : vector<16xf32>
        %select_n3A = arith.select %lt3A, %add3A_116, %scan3A_87 : vector<16xi1>, vector<16xi32>
        %select_n3A_133 = arith.select %lt3A, %scan3A_87, %add3A_116 : vector<16xi1>, vector<16xi32>
        %select_n3A_134 = arith.select %lt3A_122, %select_n3A_133, %scan3A_88 : vector<16xi1>, vector<16xi32>
        %select_n3A_135 = arith.select %lt3A_122, %scan3A_88, %add3A_116 : vector<16xi1>, vector<16xi32>
        %select_n3A_136 = arith.select %lt3A_123, %select_n3A_135, %scan3A_89 : vector<16xi1>, vector<16xi32>
        %select_n3A_137 = arith.select %lt3A_123, %scan3A_89, %add3A_116 : vector<16xi1>, vector<16xi32>
        %select_n3A_138 = arith.select %lt3A_124, %select_n3A_137, %scan3A_90 : vector<16xi1>, vector<16xi32>
        %select_n3A_139 = arith.select %lt3A_124, %scan3A_90, %add3A_116 : vector<16xi1>, vector<16xi32>
        %select_n3A_140 = arith.select %lt3A_125, %select_n3A_139, %scan3A_91 : vector<16xi1>, vector<16xi32>
        %mul3A_141 = arith.constant 2 : i32
        %mul3A_142 = arith.muli %scan3A_81, %mul3A_141 : i32
        %mul3A_143 = arith.constant 16 : i32
        %mul3A_144 = arith.muli %mul3A_142, %mul3A_143 : i32
        %add3A_145 = arith.constant 16 : i32
        %add3A_146 = arith.addi %mul3A_144, %add3A_145 : i32
        %get3A_147 = arith.index_cast %add3A_146 : i32 to index
        %get3A_148 = tpu.vector_load %arg9[%get3A_147] {strides = array<i32>} : memref<12288xf32, #tpu.memory_space<vmem>>, vector<16xf32>,
        %get3A_149 = vector.shape_cast %get3A_148 : vector<16xf32> to vector<16xf32>
        %add3A_150 = arith.constant 4096 : i32
        %add3A_151 = arith.addi %add3A_150, %add3A_146 : i32
        %get3A_152 = arith.index_cast %add3A_151 : i32 to index
        %get3A_153 = tpu.vector_load %arg9[%get3A_152] {strides = array<i32>} : memref<12288xf32, #tpu.memory_space<vmem>>, vector<16xf32>,
        %get3A_154 = vector.shape_cast %get3A_153 : vector<16xf32> to vector<16xf32>
        %add3A_155 = arith.constant 8192 : i32
        %add3A_156 = arith.addi %add3A_155, %add3A_146 : i32
        %get3A_157 = arith.index_cast %add3A_156 : i32 to index
        %get3A_158 = tpu.vector_load %arg9[%get3A_157] {strides = array<i32>} : memref<12288xf32, #tpu.memory_space<vmem>>, vector<16xf32>,
        %get3A_159 = vector.shape_cast %get3A_158 : vector<16xf32> to vector<16xf32>
        %broadcast_in_dim3A_160 = arith.constant 0 : i32
        %broadcast_in_dim3A_161 = vector.broadcast %broadcast_in_dim3A_160 : i32 to vector<16xi32>
        %add3A_162 = arith.constant 1 : i32
        %add3A_163 = arith.addi %mul3A_142, %add3A_162 : i32
        %add3A_164 = vector.broadcast %add3A_163 : i32 to vector<16xi32>
        %add3A_165 = arith.addi %broadcast_in_dim3A_161, %add3A_164 : vector<16xi32>
        %mul3A_166 = arith.mulf %get3A_33, %get3A_149 : vector<16xf32>
        %mul3A_167 = arith.mulf %get3A_36, %get3A_154 : vector<16xf32>
        %add3A_168 = arith.addf %mul3A_166, %mul3A_167 : vector<16xf32>
        %add3A_169 = arith.addf %add3A_39, %add3A_168 : vector<16xf32>
        %add3A_170 = arith.addf %add3A_169, %get3A_159 : vector<16xf32>
        %lt3A_171 = arith.cmpf olt, %add3A_170, %min3A : vector<16xf32>
        %lt3A_172 = arith.cmpf olt, %add3A_170, %min3A_126 : vector<16xf32>
        %lt3A_173 = arith.cmpf olt, %add3A_170, %min3A_128 : vector<16xf32>
        %lt3A_174 = arith.cmpf olt, %add3A_170, %min3A_130 : vector<16xf32>
        %lt3A_175 = arith.cmpf olt, %add3A_170, %min3A_132 : vector<16xf32>
        %min3A_176 = arith.minimumf %min3A, %add3A_170 : vector<16xf32>
        %max3A_177 = arith.maximumf %min3A, %add3A_170 : vector<16xf32>
        %min3A_178 = arith.minimumf %min3A_126, %max3A_177 : vector<16xf32>
        %max3A_179 = arith.maximumf %min3A_126, %add3A_170 : vector<16xf32>
        %min3A_180 = arith.minimumf %min3A_128, %max3A_179 : vector<16xf32>
        %max3A_181 = arith.maximumf %min3A_128, %add3A_170 : vector<16xf32>
        %min3A_182 = arith.minimumf %min3A_130, %max3A_181 : vector<16xf32>
        %max3A_183 = arith.maximumf %min3A_130, %add3A_170 : vector<16xf32>
        %min3A_184 = arith.minimumf %min3A_132, %max3A_183 : vector<16xf32>
        %select_n3A_185 = arith.select %lt3A_171, %add3A_165, %select_n3A : vector<16xi1>, vector<16xi32>
        %select_n3A_186 = arith.select %lt3A_171, %select_n3A, %add3A_165 : vector<16xi1>, vector<16xi32>
        %select_n3A_187 = arith.select %lt3A_172, %select_n3A_186, %select_n3A_134 : vector<16xi1>, vector<16xi32>
        %select_n3A_188 = arith.select %lt3A_172, %select_n3A_134, %add3A_165 : vector<16xi1>, vector<16xi32>
        %select_n3A_189 = arith.select %lt3A_173, %select_n3A_188, %select_n3A_136 : vector<16xi1>, vector<16xi32>
        %select_n3A_190 = arith.select %lt3A_173, %select_n3A_136, %add3A_165 : vector<16xi1>, vector<16xi32>
        %select_n3A_191 = arith.select %lt3A_174, %select_n3A_190, %select_n3A_138 : vector<16xi1>, vector<16xi32>
        %select_n3A_192 = arith.select %lt3A_174, %select_n3A_138, %add3A_165 : vector<16xi1>, vector<16xi32>
        %select_n3A_193 = arith.select %lt3A_175, %select_n3A_192, %select_n3A_140 : vector<16xi1>, vector<16xi32>
        scf.yield %min3A_176, %min3A_178, %min3A_180, %min3A_182, %min3A_184, %select_n3A_185, %select_n3A_187, %select_n3A_189, %select_n3A_191, %select_n3A_193 : vector<16xf32>, vector<16xf32>, vector<16xf32>, vector<16xf32>, vector<16xf32>, vector<16xi32>, vector<16xi32>, vector<16xi32>, vector<16xi32>, vector<16xi32>
      }
      %scan3A_59 = arith.constant 125 : i32
      %mul3A_60 = arith.constant 16 : i32
      %mul3A_61 = arith.muli %scan3A_23, %mul3A_60 : i32
      %swap3A = arith.index_cast %mul3A_61 : i32 to index
      %swap3A_62 = tpu.vector_load %arg10[%swap3A] {strides = array<i32>} : memref<256xi32, #tpu.memory_space<vmem>>, vector<16xi32>,
      %swap3A_63 = vector.shape_cast %swap3A_62 : vector<16xi32> to vector<16xi32>
      %swap3A_64 = vector.shape_cast %scan3A_58#5 : vector<16xi32> to vector<16xi32>
      tpu.vector_store %arg10[%swap3A], %swap3A_64 {strides = array<i32>} : memref<256xi32, #tpu.memory_space<vmem>>, vector<16xi32>,
      %swap3A_65 = arith.index_cast %mul3A_61 : i32 to index
      %swap3A_66 = tpu.vector_load %arg11[%swap3A_65] {strides = array<i32>} : memref<256xi32, #tpu.memory_space<vmem>>, vector<16xi32>,
      %swap3A_67 = vector.shape_cast %swap3A_66 : vector<16xi32> to vector<16xi32>
      %swap3A_68 = vector.shape_cast %scan3A_58#6 : vector<16xi32> to vector<16xi32>
      tpu.vector_store %arg11[%swap3A_65], %swap3A_68 {strides = array<i32>} : memref<256xi32, #tpu.memory_space<vmem>>, vector<16xi32>,
      %swap3A_69 = arith.index_cast %mul3A_61 : i32 to index
      %swap3A_70 = tpu.vector_load %arg12[%swap3A_69] {strides = array<i32>} : memref<256xi32, #tpu.memory_space<vmem>>, vector<16xi32>,
      %swap3A_71 = vector.shape_cast %swap3A_70 : vector<16xi32> to vector<16xi32>
      %swap3A_72 = vector.shape_cast %scan3A_58#7 : vector<16xi32> to vector<16xi32>
      tpu.vector_store %arg12[%swap3A_69], %swap3A_72 {strides = array<i32>} : memref<256xi32, #tpu.memory_space<vmem>>, vector<16xi32>,
      %swap3A_73 = arith.index_cast %mul3A_61 : i32 to index
      %swap3A_74 = tpu.vector_load %arg13[%swap3A_73] {strides = array<i32>} : memref<256xi32, #tpu.memory_space<vmem>>, vector<16xi32>,
      %swap3A_75 = vector.shape_cast %swap3A_74 : vector<16xi32> to vector<16xi32>
      %swap3A_76 = vector.shape_cast %scan3A_58#8 : vector<16xi32> to vector<16xi32>
      tpu.vector_store %arg13[%swap3A_73], %swap3A_76 {strides = array<i32>} : memref<256xi32, #tpu.memory_space<vmem>>, vector<16xi32>,
      %swap3A_77 = arith.index_cast %mul3A_61 : i32 to index
      %swap3A_78 = tpu.vector_load %arg14[%swap3A_77] {strides = array<i32>} : memref<256xi32, #tpu.memory_space<vmem>>, vector<16xi32>,
      %swap3A_79 = vector.shape_cast %swap3A_78 : vector<16xi32> to vector<16xi32>
      %swap3A_80 = vector.shape_cast %scan3A_58#9 : vector<16xi32> to vector<16xi32>
      tpu.vector_store %arg14[%swap3A_77], %swap3A_80 {strides = array<i32>} : memref<256xi32, #tpu.memory_space<vmem>>, vector<16xi32>,
    }
    %scan3A_14 = arith.constant 16 : i32
    "tpu.region"() ({
      %run_scoped3A = tpu.sem_alloc : memref<!tpu.dma_semaphore, #tpu.memory_space<semaphore_mem>>
      %dma_start3A = tpu.memref_slice %arg4[%mul3A_2] : memref<65536xi32, #tpu.memory_space<hbm>> -> memref<256xi32, #tpu.memory_space<hbm>>
      %dma_start3A_23 = tpu.memref_slice %arg4[%mul3A_2] : memref<65536xi32, #tpu.memory_space<hbm>> -> memref<256xi32, #tpu.memory_space<hbm>>
      tpu.enqueue_dma source(%arg10 : memref<256xi32, #tpu.memory_space<vmem>>) target(%dma_start3A_23 : memref<256xi32, #tpu.memory_space<hbm>>) target_semaphore(%run_scoped3A : memref<!tpu.dma_semaphore, #tpu.memory_space<semaphore_mem>>)
      %dma_wait3A = tpu.memref_slice %arg4[%mul3A_2] : memref<65536xi32, #tpu.memory_space<hbm>> -> memref<256xi32, #tpu.memory_space<hbm>>
      %dma_wait3A_24 = tpu.memref_slice %arg4[%mul3A_2] : memref<65536xi32, #tpu.memory_space<hbm>> -> memref<256xi32, #tpu.memory_space<hbm>>
      tpu.wait_dma2 semaphore(%run_scoped3A : memref<!tpu.dma_semaphore, #tpu.memory_space<semaphore_mem>>) src(%arg10 : memref<256xi32, #tpu.memory_space<vmem>>) dst(%dma_wait3A_24 : memref<256xi32, #tpu.memory_space<hbm>>)
      tpu.yield
    }) : () -> ()
    %add3A_15 = arith.constant 8192 : i32
    %add3A_16 = arith.addi %add3A_15, %mul3A_2 : i32
    "tpu.region"() ({
      %run_scoped3A = tpu.sem_alloc : memref<!tpu.dma_semaphore, #tpu.memory_space<semaphore_mem>>
      %dma_start3A = tpu.memref_slice %arg4[%add3A_16] : memref<65536xi32, #tpu.memory_space<hbm>> -> memref<256xi32, #tpu.memory_space<hbm>>
      %dma_start3A_23 = tpu.memref_slice %arg4[%add3A_16] : memref<65536xi32, #tpu.memory_space<hbm>> -> memref<256xi32, #tpu.memory_space<hbm>>
      tpu.enqueue_dma source(%arg11 : memref<256xi32, #tpu.memory_space<vmem>>) target(%dma_start3A_23 : memref<256xi32, #tpu.memory_space<hbm>>) target_semaphore(%run_scoped3A : memref<!tpu.dma_semaphore, #tpu.memory_space<semaphore_mem>>)
      %dma_wait3A = tpu.memref_slice %arg4[%add3A_16] : memref<65536xi32, #tpu.memory_space<hbm>> -> memref<256xi32, #tpu.memory_space<hbm>>
      %dma_wait3A_24 = tpu.memref_slice %arg4[%add3A_16] : memref<65536xi32, #tpu.memory_space<hbm>> -> memref<256xi32, #tpu.memory_space<hbm>>
      tpu.wait_dma2 semaphore(%run_scoped3A : memref<!tpu.dma_semaphore, #tpu.memory_space<semaphore_mem>>) src(%arg11 : memref<256xi32, #tpu.memory_space<vmem>>) dst(%dma_wait3A_24 : memref<256xi32, #tpu.memory_space<hbm>>)
      tpu.yield
    }) : () -> ()
    %add3A_17 = arith.constant 16384 : i32
    %add3A_18 = arith.addi %add3A_17, %mul3A_2 : i32
    "tpu.region"() ({
      %run_scoped3A = tpu.sem_alloc : memref<!tpu.dma_semaphore, #tpu.memory_space<semaphore_mem>>
      %dma_start3A = tpu.memref_slice %arg4[%add3A_18] : memref<65536xi32, #tpu.memory_space<hbm>> -> memref<256xi32, #tpu.memory_space<hbm>>
      %dma_start3A_23 = tpu.memref_slice %arg4[%add3A_18] : memref<65536xi32, #tpu.memory_space<hbm>> -> memref<256xi32, #tpu.memory_space<hbm>>
      tpu.enqueue_dma source(%arg12 : memref<256xi32, #tpu.memory_space<vmem>>) target(%dma_start3A_23 : memref<256xi32, #tpu.memory_space<hbm>>) target_semaphore(%run_scoped3A : memref<!tpu.dma_semaphore, #tpu.memory_space<semaphore_mem>>)
      %dma_wait3A = tpu.memref_slice %arg4[%add3A_18] : memref<65536xi32, #tpu.memory_space<hbm>> -> memref<256xi32, #tpu.memory_space<hbm>>
      %dma_wait3A_24 = tpu.memref_slice %arg4[%add3A_18] : memref<65536xi32, #tpu.memory_space<hbm>> -> memref<256xi32, #tpu.memory_space<hbm>>
      tpu.wait_dma2 semaphore(%run_scoped3A : memref<!tpu.dma_semaphore, #tpu.memory_space<semaphore_mem>>) src(%arg12 : memref<256xi32, #tpu.memory_space<vmem>>) dst(%dma_wait3A_24 : memref<256xi32, #tpu.memory_space<hbm>>)
      tpu.yield
    }) : () -> ()
    %add3A_19 = arith.constant 24576 : i32
    %add3A_20 = arith.addi %add3A_19, %mul3A_2 : i32
    "tpu.region"() ({
      %run_scoped3A = tpu.sem_alloc : memref<!tpu.dma_semaphore, #tpu.memory_space<semaphore_mem>>
      %dma_start3A = tpu.memref_slice %arg4[%add3A_20] : memref<65536xi32, #tpu.memory_space<hbm>> -> memref<256xi32, #tpu.memory_space<hbm>>
      %dma_start3A_23 = tpu.memref_slice %arg4[%add3A_20] : memref<65536xi32, #tpu.memory_space<hbm>> -> memref<256xi32, #tpu.memory_space<hbm>>
      tpu.enqueue_dma source(%arg13 : memref<256xi32, #tpu.memory_space<vmem>>) target(%dma_start3A_23 : memref<256xi32, #tpu.memory_space<hbm>>) target_semaphore(%run_scoped3A : memref<!tpu.dma_semaphore, #tpu.memory_space<semaphore_mem>>)
      %dma_wait3A = tpu.memref_slice %arg4[%add3A_20] : memref<65536xi32, #tpu.memory_space<hbm>> -> memref<256xi32, #tpu.memory_space<hbm>>
      %dma_wait3A_24 = tpu.memref_slice %arg4[%add3A_20] : memref<65536xi32, #tpu.memory_space<hbm>> -> memref<256xi32, #tpu.memory_space<hbm>>
      tpu.wait_dma2 semaphore(%run_scoped3A : memref<!tpu.dma_semaphore, #tpu.memory_space<semaphore_mem>>) src(%arg13 : memref<256xi32, #tpu.memory_space<vmem>>) dst(%dma_wait3A_24 : memref<256xi32, #tpu.memory_space<hbm>>)
      tpu.yield
    }) : () -> ()
    %add3A_21 = arith.constant 32768 : i32
    %add3A_22 = arith.addi %add3A_21, %mul3A_2 : i32
    "tpu.region"() ({
      %run_scoped3A = tpu.sem_alloc : memref<!tpu.dma_semaphore, #tpu.memory_space<semaphore_mem>>
      %dma_start3A = tpu.memref_slice %arg4[%add3A_22] : memref<65536xi32, #tpu.memory_space<hbm>> -> memref<256xi32, #tpu.memory_space<hbm>>
      %dma_start3A_23 = tpu.memref_slice %arg4[%add3A_22] : memref<65536xi32, #tpu.memory_space<hbm>> -> memref<256xi32, #tpu.memory_space<hbm>>
      tpu.enqueue_dma source(%arg14 : memref<256xi32, #tpu.memory_space<vmem>>) target(%dma_start3A_23 : memref<256xi32, #tpu.memory_space<hbm>>) target_semaphore(%run_scoped3A : memref<!tpu.dma_semaphore, #tpu.memory_space<semaphore_mem>>)
      %dma_wait3A = tpu.memref_slice %arg4[%add3A_22] : memref<65536xi32, #tpu.memory_space<hbm>> -> memref<256xi32, #tpu.memory_space<hbm>>
      %dma_wait3A_24 = tpu.memref_slice %arg4[%add3A_22] : memref<65536xi32, #tpu.memory_space<hbm>> -> memref<256xi32, #tpu.memory_space<hbm>>
      tpu.wait_dma2 semaphore(%run_scoped3A : memref<!tpu.dma_semaphore, #tpu.memory_space<semaphore_mem>>) src(%arg14 : memref<256xi32, #tpu.memory_space<vmem>>) dst(%dma_wait3A_24 : memref<256xi32, #tpu.memory_space<hbm>>)
      tpu.yield
    }) : () -> ()
    return
  }
}

#map = affine_map<(d0, d1) -> (0)>
module attributes {stable_mosaic.version = 14 : i64} {
  func.func @_sc_body(%arg0: i32, %arg1: i32, %arg2: memref<65536xf32, #tpu.memory_space<hbm>>, %arg3: memref<12288xf32, #tpu.memory_space<hbm>>, %arg4: memref<65536xi32, #tpu.memory_space<hbm>>, %arg5: memref<256xf32, #tpu.memory_space<vmem>>, %arg6: memref<256xf32, #tpu.memory_space<vmem>>, %arg7: memref<256xf32, #tpu.memory_space<vmem>>, %arg8: memref<256xf32, #tpu.memory_space<vmem>>, %arg9: memref<12288xf32, #tpu.memory_space<vmem>>, %arg10: memref<256xi32, #tpu.memory_space<vmem>>, %arg11: memref<256xi32, #tpu.memory_space<vmem>>, %arg12: memref<256xi32, #tpu.memory_space<vmem>>, %arg13: memref<256xi32, #tpu.memory_space<vmem>>, %arg14: memref<256xi32, #tpu.memory_space<vmem>>) attributes {dimension_semantics = [#tpu.dimension_semantics<core_parallel>, #tpu.dimension_semantics<subcore_parallel>], iteration_bounds = array<i64: 2, 16>, scalar_prefetch = 0 : i64, scratch_operands = 10 : i64, tpu.core_type = #tpu.core_type<sc_vector_subcore>, window_params = [{transform_indices = #map}, {transform_indices = #map}, {transform_indices = #map}]} {
    %mul3A = arith.constant 2 : i32
    %mul3A_0 = arith.muli %arg1, %mul3A : i32
    %add3A = arith.addi %mul3A_0, %arg0 : i32
    %mul3A_1 = arith.constant 256 : i32
    %mul3A_2 = arith.muli %add3A, %mul3A_1 : i32
    "tpu.region"() ({
      %run_scoped3A = tpu.sem_alloc : memref<!tpu.dma_semaphore, #tpu.memory_space<semaphore_mem>>
      %dma_start3A = tpu.memref_slice %arg2[%mul3A_2] : memref<65536xf32, #tpu.memory_space<hbm>> -> memref<256xf32, #tpu.memory_space<hbm>>
      %dma_start3A_23 = tpu.memref_slice %arg2[%mul3A_2] : memref<65536xf32, #tpu.memory_space<hbm>> -> memref<256xf32, #tpu.memory_space<hbm>>
      tpu.enqueue_dma source(%dma_start3A_23 : memref<256xf32, #tpu.memory_space<hbm>>) target(%arg5 : memref<256xf32, #tpu.memory_space<vmem>>) target_semaphore(%run_scoped3A : memref<!tpu.dma_semaphore, #tpu.memory_space<semaphore_mem>>)
      %dma_wait3A = tpu.memref_slice %arg2[%mul3A_2] : memref<65536xf32, #tpu.memory_space<hbm>> -> memref<256xf32, #tpu.memory_space<hbm>>
      %dma_wait3A_24 = tpu.memref_slice %arg2[%mul3A_2] : memref<65536xf32, #tpu.memory_space<hbm>> -> memref<256xf32, #tpu.memory_space<hbm>>
      tpu.wait_dma2 semaphore(%run_scoped3A : memref<!tpu.dma_semaphore, #tpu.memory_space<semaphore_mem>>) src(%dma_wait3A_24 : memref<256xf32, #tpu.memory_space<hbm>>) dst(%arg5 : memref<256xf32, #tpu.memory_space<vmem>>)
      tpu.yield
    }) : () -> ()
    %add3A_3 = arith.constant 8192 : i32
    %add3A_4 = arith.addi %add3A_3, %mul3A_2 : i32
    "tpu.region"() ({
      %run_scoped3A = tpu.sem_alloc : memref<!tpu.dma_semaphore, #tpu.memory_space<semaphore_mem>>
      %dma_start3A = tpu.memref_slice %arg2[%add3A_4] : memref<65536xf32, #tpu.memory_space<hbm>> -> memref<256xf32, #tpu.memory_space<hbm>>
      %dma_start3A_23 = tpu.memref_slice %arg2[%add3A_4] : memref<65536xf32, #tpu.memory_space<hbm>> -> memref<256xf32, #tpu.memory_space<hbm>>
      tpu.enqueue_dma source(%dma_start3A_23 : memref<256xf32, #tpu.memory_space<hbm>>) target(%arg6 : memref<256xf32, #tpu.memory_space<vmem>>) target_semaphore(%run_scoped3A : memref<!tpu.dma_semaphore, #tpu.memory_space<semaphore_mem>>)
      %dma_wait3A = tpu.memref_slice %arg2[%add3A_4] : memref<65536xf32, #tpu.memory_space<hbm>> -> memref<256xf32, #tpu.memory_space<hbm>>
      %dma_wait3A_24 = tpu.memref_slice %arg2[%add3A_4] : memref<65536xf32, #tpu.memory_space<hbm>> -> memref<256xf32, #tpu.memory_space<hbm>>
      tpu.wait_dma2 semaphore(%run_scoped3A : memref<!tpu.dma_semaphore, #tpu.memory_space<semaphore_mem>>) src(%dma_wait3A_24 : memref<256xf32, #tpu.memory_space<hbm>>) dst(%arg6 : memref<256xf32, #tpu.memory_space<vmem>>)
      tpu.yield
    }) : () -> ()
    %add3A_5 = arith.constant 16384 : i32
    %add3A_6 = arith.addi %add3A_5, %mul3A_2 : i32
    "tpu.region"() ({
      %run_scoped3A = tpu.sem_alloc : memref<!tpu.dma_semaphore, #tpu.memory_space<semaphore_mem>>
      %dma_start3A = tpu.memref_slice %arg2[%add3A_6] : memref<65536xf32, #tpu.memory_space<hbm>> -> memref<256xf32, #tpu.memory_space<hbm>>
      %dma_start3A_23 = tpu.memref_slice %arg2[%add3A_6] : memref<65536xf32, #tpu.memory_space<hbm>> -> memref<256xf32, #tpu.memory_space<hbm>>
      tpu.enqueue_dma source(%dma_start3A_23 : memref<256xf32, #tpu.memory_space<hbm>>) target(%arg7 : memref<256xf32, #tpu.memory_space<vmem>>) target_semaphore(%run_scoped3A : memref<!tpu.dma_semaphore, #tpu.memory_space<semaphore_mem>>)
      %dma_wait3A = tpu.memref_slice %arg2[%add3A_6] : memref<65536xf32, #tpu.memory_space<hbm>> -> memref<256xf32, #tpu.memory_space<hbm>>
      %dma_wait3A_24 = tpu.memref_slice %arg2[%add3A_6] : memref<65536xf32, #tpu.memory_space<hbm>> -> memref<256xf32, #tpu.memory_space<hbm>>
      tpu.wait_dma2 semaphore(%run_scoped3A : memref<!tpu.dma_semaphore, #tpu.memory_space<semaphore_mem>>) src(%dma_wait3A_24 : memref<256xf32, #tpu.memory_space<hbm>>) dst(%arg7 : memref<256xf32, #tpu.memory_space<vmem>>)
      tpu.yield
    }) : () -> ()
    %add3A_7 = arith.constant 24576 : i32
    %add3A_8 = arith.addi %add3A_7, %mul3A_2 : i32
    "tpu.region"() ({
      %run_scoped3A = tpu.sem_alloc : memref<!tpu.dma_semaphore, #tpu.memory_space<semaphore_mem>>
      %dma_start3A = tpu.memref_slice %arg2[%add3A_8] : memref<65536xf32, #tpu.memory_space<hbm>> -> memref<256xf32, #tpu.memory_space<hbm>>
      %dma_start3A_23 = tpu.memref_slice %arg2[%add3A_8] : memref<65536xf32, #tpu.memory_space<hbm>> -> memref<256xf32, #tpu.memory_space<hbm>>
      tpu.enqueue_dma source(%dma_start3A_23 : memref<256xf32, #tpu.memory_space<hbm>>) target(%arg8 : memref<256xf32, #tpu.memory_space<vmem>>) target_semaphore(%run_scoped3A : memref<!tpu.dma_semaphore, #tpu.memory_space<semaphore_mem>>)
      %dma_wait3A = tpu.memref_slice %arg2[%add3A_8] : memref<65536xf32, #tpu.memory_space<hbm>> -> memref<256xf32, #tpu.memory_space<hbm>>
      %dma_wait3A_24 = tpu.memref_slice %arg2[%add3A_8] : memref<65536xf32, #tpu.memory_space<hbm>> -> memref<256xf32, #tpu.memory_space<hbm>>
      tpu.wait_dma2 semaphore(%run_scoped3A : memref<!tpu.dma_semaphore, #tpu.memory_space<semaphore_mem>>) src(%dma_wait3A_24 : memref<256xf32, #tpu.memory_space<hbm>>) dst(%arg8 : memref<256xf32, #tpu.memory_space<vmem>>)
      tpu.yield
    }) : () -> ()
    "tpu.region"() ({
      %run_scoped3A = tpu.sem_alloc : memref<!tpu.dma_semaphore, #tpu.memory_space<semaphore_mem>>
      tpu.enqueue_dma source(%arg3 : memref<12288xf32, #tpu.memory_space<hbm>>) target(%arg9 : memref<12288xf32, #tpu.memory_space<vmem>>) target_semaphore(%run_scoped3A : memref<!tpu.dma_semaphore, #tpu.memory_space<semaphore_mem>>)
      tpu.wait_dma2 semaphore(%run_scoped3A : memref<!tpu.dma_semaphore, #tpu.memory_space<semaphore_mem>>) src(%arg3 : memref<12288xf32, #tpu.memory_space<hbm>>) dst(%arg9 : memref<12288xf32, #tpu.memory_space<vmem>>)
      tpu.yield
    }) : () -> ()
    %scan3A = arith.constant 0 : i32
    %scan3A_9 = arith.constant 0x7F800000 : f32
    %scan3A_10 = arith.constant 0 : i32
    %scan3A_11 = arith.constant 16 : i32
    %scan3A_12 = arith.addi %scan3A_10, %scan3A_11 : i32
    %scan3A_13 = arith.constant 1 : i32
    scf.for %scan3A_23 = %scan3A_10 to %scan3A_12 step %scan3A_13  : i32 {
      %mul3A_24 = arith.constant 16 : i32
      %mul3A_25 = arith.muli %scan3A_23, %mul3A_24 : i32
      %get3A = arith.index_cast %mul3A_25 : i32 to index
      %get3A_26 = tpu.vector_load %arg5[%get3A] {strides = array<i32>} : memref<256xf32, #tpu.memory_space<vmem>>, vector<16xf32>,
      %get3A_27 = vector.shape_cast %get3A_26 : vector<16xf32> to vector<16xf32>
      %get3A_28 = arith.index_cast %mul3A_25 : i32 to index
      %get3A_29 = tpu.vector_load %arg6[%get3A_28] {strides = array<i32>} : memref<256xf32, #tpu.memory_space<vmem>>, vector<16xf32>,
      %get3A_30 = vector.shape_cast %get3A_29 : vector<16xf32> to vector<16xf32>
      %get3A_31 = arith.index_cast %mul3A_25 : i32 to index
      %get3A_32 = tpu.vector_load %arg7[%get3A_31] {strides = array<i32>} : memref<256xf32, #tpu.memory_space<vmem>>, vector<16xf32>,
      %get3A_33 = vector.shape_cast %get3A_32 : vector<16xf32> to vector<16xf32>
      %get3A_34 = arith.index_cast %mul3A_25 : i32 to index
      %get3A_35 = tpu.vector_load %arg8[%get3A_34] {strides = array<i32>} : memref<256xf32, #tpu.memory_space<vmem>>, vector<16xf32>,
      %get3A_36 = vector.shape_cast %get3A_35 : vector<16xf32> to vector<16xf32>
      %mul3A_37 = arith.mulf %get3A_27, %get3A_27 : vector<16xf32>
      %mul3A_38 = arith.mulf %get3A_30, %get3A_30 : vector<16xf32>
      %add3A_39 = arith.addf %mul3A_37, %mul3A_38 : vector<16xf32>
      %broadcast_in_dim3A = vector.broadcast %scan3A_9 : f32 to vector<16xf32>
      %broadcast_in_dim3A_40 = vector.broadcast %scan3A_9 : f32 to vector<16xf32>
      %broadcast_in_dim3A_41 = vector.broadcast %scan3A_9 : f32 to vector<16xf32>
      %broadcast_in_dim3A_42 = vector.broadcast %scan3A_9 : f32 to vector<16xf32>
      %broadcast_in_dim3A_43 = vector.broadcast %scan3A_9 : f32 to vector<16xf32>
      %broadcast_in_dim3A_44 = arith.constant 0 : i32
      %broadcast_in_dim3A_45 = vector.broadcast %broadcast_in_dim3A_44 : i32 to vector<16xi32>
      %broadcast_in_dim3A_46 = arith.constant 0 : i32
      %broadcast_in_dim3A_47 = vector.broadcast %broadcast_in_dim3A_46 : i32 to vector<16xi32>
      %broadcast_in_dim3A_48 = arith.constant 0 : i32
      %broadcast_in_dim3A_49 = vector.broadcast %broadcast_in_dim3A_48 : i32 to vector<16xi32>
      %broadcast_in_dim3A_50 = arith.constant 0 : i32
      %broadcast_in_dim3A_51 = vector.broadcast %broadcast_in_dim3A_50 : i32 to vector<16xi32>
      %broadcast_in_dim3A_52 = arith.constant 0 : i32
      %broadcast_in_dim3A_53 = vector.broadcast %broadcast_in_dim3A_52 : i32 to vector<16xi32>
      %scan3A_54 = arith.constant 0 : i32
      %scan3A_55 = arith.constant 125 : i32
      %scan3A_56 = arith.addi %scan3A_54, %scan3A_55 : i32
      %scan3A_57 = arith.constant 1 : i32
      %scan3A_58:10 = scf.for %scan3A_81 = %scan3A_54 to %scan3A_56 step %scan3A_57 iter_args(%scan3A_82 = %broadcast_in_dim3A, %scan3A_83 = %broadcast_in_dim3A_40, %scan3A_84 = %broadcast_in_dim3A_41, %scan3A_85 = %broadcast_in_dim3A_42, %scan3A_86 = %broadcast_in_dim3A_43, %scan3A_87 = %broadcast_in_dim3A_45, %scan3A_88 = %broadcast_in_dim3A_47, %scan3A_89 = %broadcast_in_dim3A_49, %scan3A_90 = %broadcast_in_dim3A_51, %scan3A_91 = %broadcast_in_dim3A_53) -> (vector<16xf32>, vector<16xf32>, vector<16xf32>, vector<16xf32>, vector<16xf32>, vector<16xi32>, vector<16xi32>, vector<16xi32>, vector<16xi32>, vector<16xi32>)  : i32 {
        %mul3A_92 = arith.constant 2 : i32
        %mul3A_93 = arith.muli %scan3A_81, %mul3A_92 : i32
        %mul3A_94 = arith.constant 16 : i32
        %mul3A_95 = arith.muli %mul3A_93, %mul3A_94 : i32
        %add3A_96 = arith.constant 0 : i32
        %add3A_97 = arith.addi %mul3A_95, %add3A_96 : i32
        %get3A_98 = arith.index_cast %add3A_97 : i32 to index
        %get3A_99 = tpu.vector_load %arg9[%get3A_98] {strides = array<i32>} : memref<12288xf32, #tpu.memory_space<vmem>>, vector<16xf32>,
        %get3A_100 = vector.shape_cast %get3A_99 : vector<16xf32> to vector<16xf32>
        %add3A_101 = arith.constant 4096 : i32
        %add3A_102 = arith.addi %add3A_101, %add3A_97 : i32
        %get3A_103 = arith.index_cast %add3A_102 : i32 to index
        %get3A_104 = tpu.vector_load %arg9[%get3A_103] {strides = array<i32>} : memref<12288xf32, #tpu.memory_space<vmem>>, vector<16xf32>,
        %get3A_105 = vector.shape_cast %get3A_104 : vector<16xf32> to vector<16xf32>
        %add3A_106 = arith.constant 8192 : i32
        %add3A_107 = arith.addi %add3A_106, %add3A_97 : i32
        %get3A_108 = arith.index_cast %add3A_107 : i32 to index
        %get3A_109 = tpu.vector_load %arg9[%get3A_108] {strides = array<i32>} : memref<12288xf32, #tpu.memory_space<vmem>>, vector<16xf32>,
        %get3A_110 = vector.shape_cast %get3A_109 : vector<16xf32> to vector<16xf32>
        %broadcast_in_dim3A_111 = arith.constant 0 : i32
        %broadcast_in_dim3A_112 = vector.broadcast %broadcast_in_dim3A_111 : i32 to vector<16xi32>
        %add3A_113 = arith.constant 0 : i32
        %add3A_114 = arith.addi %mul3A_93, %add3A_113 : i32
        %add3A_115 = vector.broadcast %add3A_114 : i32 to vector<16xi32>
        %add3A_116 = arith.addi %broadcast_in_dim3A_112, %add3A_115 : vector<16xi32>
        %mul3A_117 = arith.mulf %get3A_33, %get3A_100 : vector<16xf32>
        %mul3A_118 = arith.mulf %get3A_36, %get3A_105 : vector<16xf32>
        %add3A_119 = arith.addf %mul3A_117, %mul3A_118 : vector<16xf32>
        %add3A_120 = arith.addf %add3A_39, %add3A_119 : vector<16xf32>
        %add3A_121 = arith.addf %add3A_120, %get3A_110 : vector<16xf32>
        %lt3A = arith.cmpf olt, %add3A_121, %scan3A_82 : vector<16xf32>
        %lt3A_122 = arith.cmpf olt, %add3A_121, %scan3A_83 : vector<16xf32>
        %lt3A_123 = arith.cmpf olt, %add3A_121, %scan3A_84 : vector<16xf32>
        %lt3A_124 = arith.cmpf olt, %add3A_121, %scan3A_85 : vector<16xf32>
        %lt3A_125 = arith.cmpf olt, %add3A_121, %scan3A_86 : vector<16xf32>
        %min3A = arith.minimumf %scan3A_82, %add3A_121 : vector<16xf32>
        %max3A = arith.maximumf %scan3A_82, %add3A_121 : vector<16xf32>
        %min3A_126 = arith.minimumf %scan3A_83, %max3A : vector<16xf32>
        %max3A_127 = arith.maximumf %scan3A_83, %add3A_121 : vector<16xf32>
        %min3A_128 = arith.minimumf %scan3A_84, %max3A_127 : vector<16xf32>
        %max3A_129 = arith.maximumf %scan3A_84, %add3A_121 : vector<16xf32>
        %min3A_130 = arith.minimumf %scan3A_85, %max3A_129 : vector<16xf32>
        %max3A_131 = arith.maximumf %scan3A_85, %add3A_121 : vector<16xf32>
        %min3A_132 = arith.minimumf %scan3A_86, %max3A_131 : vector<16xf32>
        %select_n3A = arith.select %lt3A, %add3A_116, %scan3A_87 : vector<16xi1>, vector<16xi32>
        %select_n3A_133 = arith.select %lt3A, %scan3A_87, %add3A_116 : vector<16xi1>, vector<16xi32>
        %select_n3A_134 = arith.select %lt3A_122, %select_n3A_133, %scan3A_88 : vector<16xi1>, vector<16xi32>
        %select_n3A_135 = arith.select %lt3A_122, %scan3A_88, %add3A_116 : vector<16xi1>, vector<16xi32>
        %select_n3A_136 = arith.select %lt3A_123, %select_n3A_135, %scan3A_89 : vector<16xi1>, vector<16xi32>
        %select_n3A_137 = arith.select %lt3A_123, %scan3A_89, %add3A_116 : vector<16xi1>, vector<16xi32>
        %select_n3A_138 = arith.select %lt3A_124, %select_n3A_137, %scan3A_90 : vector<16xi1>, vector<16xi32>
        %select_n3A_139 = arith.select %lt3A_124, %scan3A_90, %add3A_116 : vector<16xi1>, vector<16xi32>
        %select_n3A_140 = arith.select %lt3A_125, %select_n3A_139, %scan3A_91 : vector<16xi1>, vector<16xi32>
        %mul3A_141 = arith.constant 2 : i32
        %mul3A_142 = arith.muli %scan3A_81, %mul3A_141 : i32
        %mul3A_143 = arith.constant 16 : i32
        %mul3A_144 = arith.muli %mul3A_142, %mul3A_143 : i32
        %add3A_145 = arith.constant 16 : i32
        %add3A_146 = arith.addi %mul3A_144, %add3A_145 : i32
        %get3A_147 = arith.index_cast %add3A_146 : i32 to index
        %get3A_148 = tpu.vector_load %arg9[%get3A_147] {strides = array<i32>} : memref<12288xf32, #tpu.memory_space<vmem>>, vector<16xf32>,
        %get3A_149 = vector.shape_cast %get3A_148 : vector<16xf32> to vector<16xf32>
        %add3A_150 = arith.constant 4096 : i32
        %add3A_151 = arith.addi %add3A_150, %add3A_146 : i32
        %get3A_152 = arith.index_cast %add3A_151 : i32 to index
        %get3A_153 = tpu.vector_load %arg9[%get3A_152] {strides = array<i32>} : memref<12288xf32, #tpu.memory_space<vmem>>, vector<16xf32>,
        %get3A_154 = vector.shape_cast %get3A_153 : vector<16xf32> to vector<16xf32>
        %add3A_155 = arith.constant 8192 : i32
        %add3A_156 = arith.addi %add3A_155, %add3A_146 : i32
        %get3A_157 = arith.index_cast %add3A_156 : i32 to index
        %get3A_158 = tpu.vector_load %arg9[%get3A_157] {strides = array<i32>} : memref<12288xf32, #tpu.memory_space<vmem>>, vector<16xf32>,
        %get3A_159 = vector.shape_cast %get3A_158 : vector<16xf32> to vector<16xf32>
        %broadcast_in_dim3A_160 = arith.constant 0 : i32
        %broadcast_in_dim3A_161 = vector.broadcast %broadcast_in_dim3A_160 : i32 to vector<16xi32>
        %add3A_162 = arith.constant 1 : i32
        %add3A_163 = arith.addi %mul3A_142, %add3A_162 : i32
        %add3A_164 = vector.broadcast %add3A_163 : i32 to vector<16xi32>
        %add3A_165 = arith.addi %broadcast_in_dim3A_161, %add3A_164 : vector<16xi32>
        %mul3A_166 = arith.mulf %get3A_33, %get3A_149 : vector<16xf32>
        %mul3A_167 = arith.mulf %get3A_36, %get3A_154 : vector<16xf32>
        %add3A_168 = arith.addf %mul3A_166, %mul3A_167 : vector<16xf32>
        %add3A_169 = arith.addf %add3A_39, %add3A_168 : vector<16xf32>
        %add3A_170 = arith.addf %add3A_169, %get3A_159 : vector<16xf32>
        %lt3A_171 = arith.cmpf olt, %add3A_170, %min3A : vector<16xf32>
        %lt3A_172 = arith.cmpf olt, %add3A_170, %min3A_126 : vector<16xf32>
        %lt3A_173 = arith.cmpf olt, %add3A_170, %min3A_128 : vector<16xf32>
        %lt3A_174 = arith.cmpf olt, %add3A_170, %min3A_130 : vector<16xf32>
        %lt3A_175 = arith.cmpf olt, %add3A_170, %min3A_132 : vector<16xf32>
        %min3A_176 = arith.minimumf %min3A, %add3A_170 : vector<16xf32>
        %max3A_177 = arith.maximumf %min3A, %add3A_170 : vector<16xf32>
        %min3A_178 = arith.minimumf %min3A_126, %max3A_177 : vector<16xf32>
        %max3A_179 = arith.maximumf %min3A_126, %add3A_170 : vector<16xf32>
        %min3A_180 = arith.minimumf %min3A_128, %max3A_179 : vector<16xf32>
        %max3A_181 = arith.maximumf %min3A_128, %add3A_170 : vector<16xf32>
        %min3A_182 = arith.minimumf %min3A_130, %max3A_181 : vector<16xf32>
        %max3A_183 = arith.maximumf %min3A_130, %add3A_170 : vector<16xf32>
        %min3A_184 = arith.minimumf %min3A_132, %max3A_183 : vector<16xf32>
        %select_n3A_185 = arith.select %lt3A_171, %add3A_165, %select_n3A : vector<16xi1>, vector<16xi32>
        %select_n3A_186 = arith.select %lt3A_171, %select_n3A, %add3A_165 : vector<16xi1>, vector<16xi32>
        %select_n3A_187 = arith.select %lt3A_172, %select_n3A_186, %select_n3A_134 : vector<16xi1>, vector<16xi32>
        %select_n3A_188 = arith.select %lt3A_172, %select_n3A_134, %add3A_165 : vector<16xi1>, vector<16xi32>
        %select_n3A_189 = arith.select %lt3A_173, %select_n3A_188, %select_n3A_136 : vector<16xi1>, vector<16xi32>
        %select_n3A_190 = arith.select %lt3A_173, %select_n3A_136, %add3A_165 : vector<16xi1>, vector<16xi32>
        %select_n3A_191 = arith.select %lt3A_174, %select_n3A_190, %select_n3A_138 : vector<16xi1>, vector<16xi32>
        %select_n3A_192 = arith.select %lt3A_174, %select_n3A_138, %add3A_165 : vector<16xi1>, vector<16xi32>
        %select_n3A_193 = arith.select %lt3A_175, %select_n3A_192, %select_n3A_140 : vector<16xi1>, vector<16xi32>
        scf.yield %min3A_176, %min3A_178, %min3A_180, %min3A_182, %min3A_184, %select_n3A_185, %select_n3A_187, %select_n3A_189, %select_n3A_191, %select_n3A_193 : vector<16xf32>, vector<16xf32>, vector<16xf32>, vector<16xf32>, vector<16xf32>, vector<16xi32>, vector<16xi32>, vector<16xi32>, vector<16xi32>, vector<16xi32>
      }
      %scan3A_59 = arith.constant 125 : i32
      %mul3A_60 = arith.constant 16 : i32
      %mul3A_61 = arith.muli %scan3A_23, %mul3A_60 : i32
      %swap3A = arith.index_cast %mul3A_61 : i32 to index
      %swap3A_62 = tpu.vector_load %arg10[%swap3A] {strides = array<i32>} : memref<256xi32, #tpu.memory_space<vmem>>, vector<16xi32>,
      %swap3A_63 = vector.shape_cast %swap3A_62 : vector<16xi32> to vector<16xi32>
      %swap3A_64 = vector.shape_cast %scan3A_58#5 : vector<16xi32> to vector<16xi32>
      tpu.vector_store %arg10[%swap3A], %swap3A_64 {strides = array<i32>} : memref<256xi32, #tpu.memory_space<vmem>>, vector<16xi32>,
      %swap3A_65 = arith.index_cast %mul3A_61 : i32 to index
      %swap3A_66 = tpu.vector_load %arg11[%swap3A_65] {strides = array<i32>} : memref<256xi32, #tpu.memory_space<vmem>>, vector<16xi32>,
      %swap3A_67 = vector.shape_cast %swap3A_66 : vector<16xi32> to vector<16xi32>
      %swap3A_68 = vector.shape_cast %scan3A_58#6 : vector<16xi32> to vector<16xi32>
      tpu.vector_store %arg11[%swap3A_65], %swap3A_68 {strides = array<i32>} : memref<256xi32, #tpu.memory_space<vmem>>, vector<16xi32>,
      %swap3A_69 = arith.index_cast %mul3A_61 : i32 to index
      %swap3A_70 = tpu.vector_load %arg12[%swap3A_69] {strides = array<i32>} : memref<256xi32, #tpu.memory_space<vmem>>, vector<16xi32>,
      %swap3A_71 = vector.shape_cast %swap3A_70 : vector<16xi32> to vector<16xi32>
      %swap3A_72 = vector.shape_cast %scan3A_58#7 : vector<16xi32> to vector<16xi32>
      tpu.vector_store %arg12[%swap3A_69], %swap3A_72 {strides = array<i32>} : memref<256xi32, #tpu.memory_space<vmem>>, vector<16xi32>,
      %swap3A_73 = arith.index_cast %mul3A_61 : i32 to index
      %swap3A_74 = tpu.vector_load %arg13[%swap3A_73] {strides = array<i32>} : memref<256xi32, #tpu.memory_space<vmem>>, vector<16xi32>,
      %swap3A_75 = vector.shape_cast %swap3A_74 : vector<16xi32> to vector<16xi32>
      %swap3A_76 = vector.shape_cast %scan3A_58#8 : vector<16xi32> to vector<16xi32>
      tpu.vector_store %arg13[%swap3A_73], %swap3A_76 {strides = array<i32>} : memref<256xi32, #tpu.memory_space<vmem>>, vector<16xi32>,
      %swap3A_77 = arith.index_cast %mul3A_61 : i32 to index
      %swap3A_78 = tpu.vector_load %arg14[%swap3A_77] {strides = array<i32>} : memref<256xi32, #tpu.memory_space<vmem>>, vector<16xi32>,
      %swap3A_79 = vector.shape_cast %swap3A_78 : vector<16xi32> to vector<16xi32>
      %swap3A_80 = vector.shape_cast %scan3A_58#9 : vector<16xi32> to vector<16xi32>
      tpu.vector_store %arg14[%swap3A_77], %swap3A_80 {strides = array<i32>} : memref<256xi32, #tpu.memory_space<vmem>>, vector<16xi32>,
    }
    %scan3A_14 = arith.constant 16 : i32
    "tpu.region"() ({
      %run_scoped3A = tpu.sem_alloc : memref<!tpu.dma_semaphore, #tpu.memory_space<semaphore_mem>>
      %dma_start3A = tpu.memref_slice %arg4[%mul3A_2] : memref<65536xi32, #tpu.memory_space<hbm>> -> memref<256xi32, #tpu.memory_space<hbm>>
      %dma_start3A_23 = tpu.memref_slice %arg4[%mul3A_2] : memref<65536xi32, #tpu.memory_space<hbm>> -> memref<256xi32, #tpu.memory_space<hbm>>
      tpu.enqueue_dma source(%arg10 : memref<256xi32, #tpu.memory_space<vmem>>) target(%dma_start3A_23 : memref<256xi32, #tpu.memory_space<hbm>>) target_semaphore(%run_scoped3A : memref<!tpu.dma_semaphore, #tpu.memory_space<semaphore_mem>>)
      %dma_wait3A = tpu.memref_slice %arg4[%mul3A_2] : memref<65536xi32, #tpu.memory_space<hbm>> -> memref<256xi32, #tpu.memory_space<hbm>>
      %dma_wait3A_24 = tpu.memref_slice %arg4[%mul3A_2] : memref<65536xi32, #tpu.memory_space<hbm>> -> memref<256xi32, #tpu.memory_space<hbm>>
      tpu.wait_dma2 semaphore(%run_scoped3A : memref<!tpu.dma_semaphore, #tpu.memory_space<semaphore_mem>>) src(%arg10 : memref<256xi32, #tpu.memory_space<vmem>>) dst(%dma_wait3A_24 : memref<256xi32, #tpu.memory_space<hbm>>)
      tpu.yield
    }) : () -> ()
    %add3A_15 = arith.constant 8192 : i32
    %add3A_16 = arith.addi %add3A_15, %mul3A_2 : i32
    "tpu.region"() ({
      %run_scoped3A = tpu.sem_alloc : memref<!tpu.dma_semaphore, #tpu.memory_space<semaphore_mem>>
      %dma_start3A = tpu.memref_slice %arg4[%add3A_16] : memref<65536xi32, #tpu.memory_space<hbm>> -> memref<256xi32, #tpu.memory_space<hbm>>
      %dma_start3A_23 = tpu.memref_slice %arg4[%add3A_16] : memref<65536xi32, #tpu.memory_space<hbm>> -> memref<256xi32, #tpu.memory_space<hbm>>
      tpu.enqueue_dma source(%arg11 : memref<256xi32, #tpu.memory_space<vmem>>) target(%dma_start3A_23 : memref<256xi32, #tpu.memory_space<hbm>>) target_semaphore(%run_scoped3A : memref<!tpu.dma_semaphore, #tpu.memory_space<semaphore_mem>>)
      %dma_wait3A = tpu.memref_slice %arg4[%add3A_16] : memref<65536xi32, #tpu.memory_space<hbm>> -> memref<256xi32, #tpu.memory_space<hbm>>
      %dma_wait3A_24 = tpu.memref_slice %arg4[%add3A_16] : memref<65536xi32, #tpu.memory_space<hbm>> -> memref<256xi32, #tpu.memory_space<hbm>>
      tpu.wait_dma2 semaphore(%run_scoped3A : memref<!tpu.dma_semaphore, #tpu.memory_space<semaphore_mem>>) src(%arg11 : memref<256xi32, #tpu.memory_space<vmem>>) dst(%dma_wait3A_24 : memref<256xi32, #tpu.memory_space<hbm>>)
      tpu.yield
    }) : () -> ()
    %add3A_17 = arith.constant 16384 : i32
    %add3A_18 = arith.addi %add3A_17, %mul3A_2 : i32
    "tpu.region"() ({
      %run_scoped3A = tpu.sem_alloc : memref<!tpu.dma_semaphore, #tpu.memory_space<semaphore_mem>>
      %dma_start3A = tpu.memref_slice %arg4[%add3A_18] : memref<65536xi32, #tpu.memory_space<hbm>> -> memref<256xi32, #tpu.memory_space<hbm>>
      %dma_start3A_23 = tpu.memref_slice %arg4[%add3A_18] : memref<65536xi32, #tpu.memory_space<hbm>> -> memref<256xi32, #tpu.memory_space<hbm>>
      tpu.enqueue_dma source(%arg12 : memref<256xi32, #tpu.memory_space<vmem>>) target(%dma_start3A_23 : memref<256xi32, #tpu.memory_space<hbm>>) target_semaphore(%run_scoped3A : memref<!tpu.dma_semaphore, #tpu.memory_space<semaphore_mem>>)
      %dma_wait3A = tpu.memref_slice %arg4[%add3A_18] : memref<65536xi32, #tpu.memory_space<hbm>> -> memref<256xi32, #tpu.memory_space<hbm>>
      %dma_wait3A_24 = tpu.memref_slice %arg4[%add3A_18] : memref<65536xi32, #tpu.memory_space<hbm>> -> memref<256xi32, #tpu.memory_space<hbm>>
      tpu.wait_dma2 semaphore(%run_scoped3A : memref<!tpu.dma_semaphore, #tpu.memory_space<semaphore_mem>>) src(%arg12 : memref<256xi32, #tpu.memory_space<vmem>>) dst(%dma_wait3A_24 : memref<256xi32, #tpu.memory_space<hbm>>)
      tpu.yield
    }) : () -> ()
    %add3A_19 = arith.constant 24576 : i32
    %add3A_20 = arith.addi %add3A_19, %mul3A_2 : i32
    "tpu.region"() ({
      %run_scoped3A = tpu.sem_alloc : memref<!tpu.dma_semaphore, #tpu.memory_space<semaphore_mem>>
      %dma_start3A = tpu.memref_slice %arg4[%add3A_20] : memref<65536xi32, #tpu.memory_space<hbm>> -> memref<256xi32, #tpu.memory_space<hbm>>
      %dma_start3A_23 = tpu.memref_slice %arg4[%add3A_20] : memref<65536xi32, #tpu.memory_space<hbm>> -> memref<256xi32, #tpu.memory_space<hbm>>
      tpu.enqueue_dma source(%arg13 : memref<256xi32, #tpu.memory_space<vmem>>) target(%dma_start3A_23 : memref<256xi32, #tpu.memory_space<hbm>>) target_semaphore(%run_scoped3A : memref<!tpu.dma_semaphore, #tpu.memory_space<semaphore_mem>>)
      %dma_wait3A = tpu.memref_slice %arg4[%add3A_20] : memref<65536xi32, #tpu.memory_space<hbm>> -> memref<256xi32, #tpu.memory_space<hbm>>
      %dma_wait3A_24 = tpu.memref_slice %arg4[%add3A_20] : memref<65536xi32, #tpu.memory_space<hbm>> -> memref<256xi32, #tpu.memory_space<hbm>>
      tpu.wait_dma2 semaphore(%run_scoped3A : memref<!tpu.dma_semaphore, #tpu.memory_space<semaphore_mem>>) src(%arg13 : memref<256xi32, #tpu.memory_space<vmem>>) dst(%dma_wait3A_24 : memref<256xi32, #tpu.memory_space<hbm>>)
      tpu.yield
    }) : () -> ()
    %add3A_21 = arith.constant 32768 : i32
    %add3A_22 = arith.addi %add3A_21, %mul3A_2 : i32
    "tpu.region"() ({
      %run_scoped3A = tpu.sem_alloc : memref<!tpu.dma_semaphore, #tpu.memory_space<semaphore_mem>>
      %dma_start3A = tpu.memref_slice %arg4[%add3A_22] : memref<65536xi32, #tpu.memory_space<hbm>> -> memref<256xi32, #tpu.memory_space<hbm>>
      %dma_start3A_23 = tpu.memref_slice %arg4[%add3A_22] : memref<65536xi32, #tpu.memory_space<hbm>> -> memref<256xi32, #tpu.memory_space<hbm>>
      tpu.enqueue_dma source(%arg14 : memref<256xi32, #tpu.memory_space<vmem>>) target(%dma_start3A_23 : memref<256xi32, #tpu.memory_space<hbm>>) target_semaphore(%run_scoped3A : memref<!tpu.dma_semaphore, #tpu.memory_space<semaphore_mem>>)
      %dma_wait3A = tpu.memref_slice %arg4[%add3A_22] : memref<65536xi32, #tpu.memory_space<hbm>> -> memref<256xi32, #tpu.memory_space<hbm>>
      %dma_wait3A_24 = tpu.memref_slice %arg4[%add3A_22] : memref<65536xi32, #tpu.memory_space<hbm>> -> memref<256xi32, #tpu.memory_space<hbm>>
      tpu.wait_dma2 semaphore(%run_scoped3A : memref<!tpu.dma_semaphore, #tpu.memory_space<semaphore_mem>>) src(%arg14 : memref<256xi32, #tpu.memory_space<vmem>>) dst(%dma_wait3A_24 : memref<256xi32, #tpu.memory_space<hbm>>)
      tpu.yield
    }) : () -> ()
    return
  }
}

module attributes {stable_mosaic.version = 14 : i64} {
  func.func @_dense_body(%arg0: i32, %arg1: memref<4096x128xf32, #tpu.memory_space<vmem>>, %arg2: memref<128x5xf32, #tpu.memory_space<vmem>>, %arg3: memref<133x5xf32, #tpu.memory_space<vmem>>, %arg4: memref<138x5xf32, #tpu.memory_space<vmem>>, %arg5: memref<143x5xf32, #tpu.memory_space<vmem>>, %arg6: memref<148x5xf32, #tpu.memory_space<vmem>>, %arg7: memref<153x2xf32, #tpu.memory_space<vmem>>, %arg8: memref<1x2xf32, #tpu.memory_space<vmem>>, %arg9: memref<250x2xf32, #tpu.memory_space<vmem>>, %arg10: memref<4096x8xf32, #tpu.memory_space<vmem>>, %arg11: memref<8x4096xf32, #tpu.memory_space<vmem>>, %arg12: memref<768x16xf32, #tpu.memory_space<vmem>>, %arg13: memref<4096x160xf32, #tpu.memory_space<vmem>>, %arg14: memref<160x48xf32, #tpu.memory_space<vmem>>) attributes {dimension_semantics = [#tpu.dimension_semantics<arbitrary>], iteration_bounds = array<i64: 2>, scalar_prefetch = 0 : i64, scratch_operands = 2 : i64, tpu.core_type = #tpu.core_type<tc>, window_params = [{transform_indices = @transform_0, window_bounds = array<i64: 4096, 128>}, {pipeline_mode = #tpu.pipeline_mode<synchronous>, transform_indices = @transform_1, window_bounds = array<i64: 128, 5>}, {pipeline_mode = #tpu.pipeline_mode<synchronous>, transform_indices = @transform_2, window_bounds = array<i64: 133, 5>}, {pipeline_mode = #tpu.pipeline_mode<synchronous>, transform_indices = @transform_3, window_bounds = array<i64: 138, 5>}, {pipeline_mode = #tpu.pipeline_mode<synchronous>, transform_indices = @transform_4, window_bounds = array<i64: 143, 5>}, {pipeline_mode = #tpu.pipeline_mode<synchronous>, transform_indices = @transform_5, window_bounds = array<i64: 148, 5>}, {pipeline_mode = #tpu.pipeline_mode<synchronous>, transform_indices = @transform_6, window_bounds = array<i64: 153, 2>}, {pipeline_mode = #tpu.pipeline_mode<synchronous>, transform_indices = @transform_7, window_bounds = array<i64: 1, 2>}, {pipeline_mode = #tpu.pipeline_mode<synchronous>, transform_indices = @transform_8, window_bounds = array<i64: 250, 2>}, {transform_indices = @transform_9, window_bounds = array<i64: 4096, 8>}, {transform_indices = @transform_10, window_bounds = array<i64: 8, 4096>}, {pipeline_mode = #tpu.pipeline_mode<synchronous>, transform_indices = @transform_11, window_bounds = array<i64: 768, 16>}]} {
    %eq3A = arith.constant 0 : i32
    %eq3A_0 = arith.cmpi eq, %arg0, %eq3A : i32
    %convert_element_type3A = arith.extui %eq3A_0 : i1 to i32
    %cond3A = arith.constant 0 : i32
    %cond3A_1 = arith.cmpi ne, %convert_element_type3A, %cond3A : i32
    scf.if %cond3A_1 {
      %broadcast_in_dim3A_131 = arith.constant 0.000000e+00 : f32
      %broadcast_in_dim3A_132 = vector.broadcast %broadcast_in_dim3A_131 : f32 to vector<160x48xf32>
      %swap3A_133 = arith.constant 0 : index
      %swap3A_134 = arith.constant 0 : index
      %swap3A_135 = vector.load %arg14[%swap3A_133, %swap3A_134] : memref<160x48xf32, #tpu.memory_space<vmem>>, vector<160x48xf32>
      tpu.vector_store %arg14[%swap3A_133, %swap3A_134], %broadcast_in_dim3A_132 {strides = array<i32>} : memref<160x48xf32, #tpu.memory_space<vmem>>, vector<160x48xf32>,
      %get3A_136 = arith.constant 0 : index
      %get3A_137 = arith.constant 0 : index
      %get3A_138 = vector.load %arg2[%get3A_136, %get3A_137] : memref<128x5xf32, #tpu.memory_space<vmem>>, vector<128x5xf32>
      %swap3A_139 = arith.constant 0 : index
      %swap3A_140 = arith.constant 0 : index
      %swap3A_141 = vector.load %arg14[%swap3A_139, %swap3A_140] : memref<160x48xf32, #tpu.memory_space<vmem>>, vector<128x5xf32>
      tpu.vector_store %arg14[%swap3A_139, %swap3A_140], %get3A_138 {strides = array<i32>} : memref<160x48xf32, #tpu.memory_space<vmem>>, vector<128x5xf32>,
      %get3A_142 = arith.constant 0 : index
      %get3A_143 = arith.constant 0 : index
      %get3A_144 = vector.load %arg3[%get3A_142, %get3A_143] : memref<133x5xf32, #tpu.memory_space<vmem>>, vector<133x5xf32>
      %swap3A_145 = arith.constant 0 : index
      %swap3A_146 = arith.constant 8 : index
      %swap3A_147 = vector.load %arg14[%swap3A_145, %swap3A_146] : memref<160x48xf32, #tpu.memory_space<vmem>>, vector<133x5xf32>
      tpu.vector_store %arg14[%swap3A_145, %swap3A_146], %get3A_144 {strides = array<i32>} : memref<160x48xf32, #tpu.memory_space<vmem>>, vector<133x5xf32>,
      %get3A_148 = arith.constant 0 : index
      %get3A_149 = arith.constant 0 : index
      %get3A_150 = vector.load %arg4[%get3A_148, %get3A_149] : memref<138x5xf32, #tpu.memory_space<vmem>>, vector<138x5xf32>
      %swap3A_151 = arith.constant 0 : index
      %swap3A_152 = arith.constant 16 : index
      %swap3A_153 = vector.load %arg14[%swap3A_151, %swap3A_152] : memref<160x48xf32, #tpu.memory_space<vmem>>, vector<138x5xf32>
      tpu.vector_store %arg14[%swap3A_151, %swap3A_152], %get3A_150 {strides = array<i32>} : memref<160x48xf32, #tpu.memory_space<vmem>>, vector<138x5xf32>,
      %get3A_154 = arith.constant 0 : index
      %get3A_155 = arith.constant 0 : index
      %get3A_156 = vector.load %arg5[%get3A_154, %get3A_155] : memref<143x5xf32, #tpu.memory_space<vmem>>, vector<143x5xf32>
      %swap3A_157 = arith.constant 0 : index
      %swap3A_158 = arith.constant 24 : index
      %swap3A_159 = vector.load %arg14[%swap3A_157, %swap3A_158] : memref<160x48xf32, #tpu.memory_space<vmem>>, vector<143x5xf32>
      tpu.vector_store %arg14[%swap3A_157, %swap3A_158], %get3A_156 {strides = array<i32>} : memref<160x48xf32, #tpu.memory_space<vmem>>, vector<143x5xf32>,
      %get3A_160 = arith.constant 0 : index
      %get3A_161 = arith.constant 0 : index
      %get3A_162 = vector.load %arg6[%get3A_160, %get3A_161] : memref<148x5xf32, #tpu.memory_space<vmem>>, vector<148x5xf32>
      %swap3A_163 = arith.constant 0 : index
      %swap3A_164 = arith.constant 32 : index
      %swap3A_165 = vector.load %arg14[%swap3A_163, %swap3A_164] : memref<160x48xf32, #tpu.memory_space<vmem>>, vector<148x5xf32>
      tpu.vector_store %arg14[%swap3A_163, %swap3A_164], %get3A_162 {strides = array<i32>} : memref<160x48xf32, #tpu.memory_space<vmem>>, vector<148x5xf32>,
      %get3A_166 = arith.constant 0 : index
      %get3A_167 = arith.constant 0 : index
      %get3A_168 = vector.load %arg7[%get3A_166, %get3A_167] : memref<153x2xf32, #tpu.memory_space<vmem>>, vector<153x2xf32>
      %swap3A_169 = arith.constant 0 : index
      %swap3A_170 = arith.constant 40 : index
      %swap3A_171 = vector.load %arg14[%swap3A_169, %swap3A_170] : memref<160x48xf32, #tpu.memory_space<vmem>>, vector<153x2xf32>
      tpu.vector_store %arg14[%swap3A_169, %swap3A_170], %get3A_168 {strides = array<i32>} : memref<160x48xf32, #tpu.memory_space<vmem>>, vector<153x2xf32>,
    } else {
    }
    %get3A = arith.constant 0 : index
    %get3A_2 = arith.constant 0 : index
    %get3A_3 = vector.load %arg1[%get3A, %get3A_2] : memref<4096x128xf32, #tpu.memory_space<vmem>>, vector<4096x128xf32>
    %swap3A = arith.constant 0 : index
    %swap3A_4 = arith.constant 0 : index
    %swap3A_5 = vector.load %arg13[%swap3A, %swap3A_4] : memref<4096x160xf32, #tpu.memory_space<vmem>>, vector<4096x128xf32>
    tpu.vector_store %arg13[%swap3A, %swap3A_4], %get3A_3 {strides = array<i32>} : memref<4096x160xf32, #tpu.memory_space<vmem>>, vector<4096x128xf32>,
    %broadcast_in_dim3A = arith.constant 0.000000e+00 : f32
    %broadcast_in_dim3A_6 = vector.broadcast %broadcast_in_dim3A : f32 to vector<4096x32xf32>
    %swap3A_7 = arith.constant 0 : index
    %swap3A_8 = arith.constant 128 : index
    %swap3A_9 = vector.load %arg13[%swap3A_7, %swap3A_8] : memref<4096x160xf32, #tpu.memory_space<vmem>>, vector<4096x32xf32>
    tpu.vector_store %arg13[%swap3A_7, %swap3A_8], %broadcast_in_dim3A_6 {strides = array<i32>} : memref<4096x160xf32, #tpu.memory_space<vmem>>, vector<4096x32xf32>,
    %get3A_10 = arith.constant 0 : index
    %get3A_11 = arith.constant 0 : index
    %get3A_12 = vector.load %arg14[%get3A_10, %get3A_11] : memref<160x48xf32, #tpu.memory_space<vmem>>, vector<160x8xf32>
    %get3A_13 = arith.constant 0 : index
    %get3A_14 = arith.constant 0 : index
    %get3A_15 = vector.load %arg13[%get3A_13, %get3A_14] : memref<4096x160xf32, #tpu.memory_space<vmem>>, vector<4096x160xf32>
    %convert_element_type3A_16 = arith.truncf %get3A_15 : vector<4096x160xf32> to vector<4096x160xbf16>
    %convert_element_type3A_17 = arith.truncf %get3A_12 : vector<160x8xf32> to vector<160x8xbf16>
    %dot_general3A = arith.constant dense<0.000000e+00> : vector<4096x8xf32>
    %dot_general3A_18 = tpu.matmul %convert_element_type3A_16, %convert_element_type3A_17, %dot_general3A {dimension_numbers = #tpu.dot_dimension_numbers<[1], [0], [0], [1], [0, 0, 1, 1], [], []>, transpose_lhs_hint = false} : vector<4096x160xbf16>, vector<160x8xbf16>, vector<4096x8xf32> -> vector<4096x8xf32>
    %tanh3A = math.tanh %dot_general3A_18 : vector<4096x8xf32>
    %convert_element_type3A_19 = arith.truncf %tanh3A : vector<4096x8xf32> to vector<4096x8xbf16>
    %convert_element_type3A_20 = arith.extf %convert_element_type3A_19 : vector<4096x8xbf16> to vector<4096x8xf32>
    %get3A_21 = arith.constant 0 : index
    %get3A_22 = arith.constant 0 : index
    %get3A_23 = vector.load %arg1[%get3A_21, %get3A_22] : memref<4096x128xf32, #tpu.memory_space<vmem>>, vector<4096x128xf32>
    %convert_element_type3A_24 = arith.truncf %get3A_23 : vector<4096x128xf32> to vector<4096x128xbf16>
    %convert_element_type3A_25 = arith.extf %convert_element_type3A_24 : vector<4096x128xbf16> to vector<4096x128xf32>
    %swap3A_26 = arith.constant 0 : index
    %swap3A_27 = arith.constant 0 : index
    %swap3A_28 = vector.load %arg13[%swap3A_26, %swap3A_27] : memref<4096x160xf32, #tpu.memory_space<vmem>>, vector<4096x128xf32>
    tpu.vector_store %arg13[%swap3A_26, %swap3A_27], %convert_element_type3A_25 {strides = array<i32>} : memref<4096x160xf32, #tpu.memory_space<vmem>>, vector<4096x128xf32>,
    %swap3A_29 = arith.constant 0 : index
    %swap3A_30 = arith.constant 128 : index
    %swap3A_31 = vector.load %arg13[%swap3A_29, %swap3A_30] : memref<4096x160xf32, #tpu.memory_space<vmem>>, vector<4096x8xf32>
    tpu.vector_store %arg13[%swap3A_29, %swap3A_30], %convert_element_type3A_20 {strides = array<i32>} : memref<4096x160xf32, #tpu.memory_space<vmem>>, vector<4096x8xf32>,
    %get3A_32 = arith.constant 0 : index
    %get3A_33 = arith.constant 8 : index
    %get3A_34 = vector.load %arg14[%get3A_32, %get3A_33] : memref<160x48xf32, #tpu.memory_space<vmem>>, vector<160x8xf32>
    %get3A_35 = arith.constant 0 : index
    %get3A_36 = arith.constant 0 : index
    %get3A_37 = vector.load %arg13[%get3A_35, %get3A_36] : memref<4096x160xf32, #tpu.memory_space<vmem>>, vector<4096x160xf32>
    %convert_element_type3A_38 = arith.truncf %get3A_37 : vector<4096x160xf32> to vector<4096x160xbf16>
    %convert_element_type3A_39 = arith.truncf %get3A_34 : vector<160x8xf32> to vector<160x8xbf16>
    %dot_general3A_40 = arith.constant dense<0.000000e+00> : vector<4096x8xf32>
    %dot_general3A_41 = tpu.matmul %convert_element_type3A_38, %convert_element_type3A_39, %dot_general3A_40 {dimension_numbers = #tpu.dot_dimension_numbers<[1], [0], [0], [1], [0, 0, 1, 1], [], []>, transpose_lhs_hint = false} : vector<4096x160xbf16>, vector<160x8xbf16>, vector<4096x8xf32> -> vector<4096x8xf32>
    %tanh3A_42 = math.tanh %dot_general3A_41 : vector<4096x8xf32>
    %convert_element_type3A_43 = arith.truncf %tanh3A_42 : vector<4096x8xf32> to vector<4096x8xbf16>
    %convert_element_type3A_44 = arith.extf %convert_element_type3A_43 : vector<4096x8xbf16> to vector<4096x8xf32>
    %swap3A_45 = arith.constant 0 : index
    %swap3A_46 = arith.constant 133 : index
    %swap3A_47 = vector.load %arg13[%swap3A_45, %swap3A_46] : memref<4096x160xf32, #tpu.memory_space<vmem>>, vector<4096x8xf32>
    tpu.vector_store %arg13[%swap3A_45, %swap3A_46], %convert_element_type3A_44 {strides = array<i32>} : memref<4096x160xf32, #tpu.memory_space<vmem>>, vector<4096x8xf32>,
    %get3A_48 = arith.constant 0 : index
    %get3A_49 = arith.constant 16 : index
    %get3A_50 = vector.load %arg14[%get3A_48, %get3A_49] : memref<160x48xf32, #tpu.memory_space<vmem>>, vector<160x8xf32>
    %get3A_51 = arith.constant 0 : index
    %get3A_52 = arith.constant 0 : index
    %get3A_53 = vector.load %arg13[%get3A_51, %get3A_52] : memref<4096x160xf32, #tpu.memory_space<vmem>>, vector<4096x160xf32>
    %convert_element_type3A_54 = arith.truncf %get3A_53 : vector<4096x160xf32> to vector<4096x160xbf16>
    %convert_element_type3A_55 = arith.truncf %get3A_50 : vector<160x8xf32> to vector<160x8xbf16>
    %dot_general3A_56 = arith.constant dense<0.000000e+00> : vector<4096x8xf32>
    %dot_general3A_57 = tpu.matmul %convert_element_type3A_54, %convert_element_type3A_55, %dot_general3A_56 {dimension_numbers = #tpu.dot_dimension_numbers<[1], [0], [0], [1], [0, 0, 1, 1], [], []>, transpose_lhs_hint = false} : vector<4096x160xbf16>, vector<160x8xbf16>, vector<4096x8xf32> -> vector<4096x8xf32>
    %tanh3A_58 = math.tanh %dot_general3A_57 : vector<4096x8xf32>
    %convert_element_type3A_59 = arith.truncf %tanh3A_58 : vector<4096x8xf32> to vector<4096x8xbf16>
    %convert_element_type3A_60 = arith.extf %convert_element_type3A_59 : vector<4096x8xbf16> to vector<4096x8xf32>
    %swap3A_61 = arith.constant 0 : index
    %swap3A_62 = arith.constant 138 : index
    %swap3A_63 = vector.load %arg13[%swap3A_61, %swap3A_62] : memref<4096x160xf32, #tpu.memory_space<vmem>>, vector<4096x8xf32>
    tpu.vector_store %arg13[%swap3A_61, %swap3A_62], %convert_element_type3A_60 {strides = array<i32>} : memref<4096x160xf32, #tpu.memory_space<vmem>>, vector<4096x8xf32>,
    %get3A_64 = arith.constant 0 : index
    %get3A_65 = arith.constant 24 : index
    %get3A_66 = vector.load %arg14[%get3A_64, %get3A_65] : memref<160x48xf32, #tpu.memory_space<vmem>>, vector<160x8xf32>
    %get3A_67 = arith.constant 0 : index
    %get3A_68 = arith.constant 0 : index
    %get3A_69 = vector.load %arg13[%get3A_67, %get3A_68] : memref<4096x160xf32, #tpu.memory_space<vmem>>, vector<4096x160xf32>
    %convert_element_type3A_70 = arith.truncf %get3A_69 : vector<4096x160xf32> to vector<4096x160xbf16>
    %convert_element_type3A_71 = arith.truncf %get3A_66 : vector<160x8xf32> to vector<160x8xbf16>
    %dot_general3A_72 = arith.constant dense<0.000000e+00> : vector<4096x8xf32>
    %dot_general3A_73 = tpu.matmul %convert_element_type3A_70, %convert_element_type3A_71, %dot_general3A_72 {dimension_numbers = #tpu.dot_dimension_numbers<[1], [0], [0], [1], [0, 0, 1, 1], [], []>, transpose_lhs_hint = false} : vector<4096x160xbf16>, vector<160x8xbf16>, vector<4096x8xf32> -> vector<4096x8xf32>
    %tanh3A_74 = math.tanh %dot_general3A_73 : vector<4096x8xf32>
    %convert_element_type3A_75 = arith.truncf %tanh3A_74 : vector<4096x8xf32> to vector<4096x8xbf16>
    %convert_element_type3A_76 = arith.extf %convert_element_type3A_75 : vector<4096x8xbf16> to vector<4096x8xf32>
    %swap3A_77 = arith.constant 0 : index
    %swap3A_78 = arith.constant 143 : index
    %swap3A_79 = vector.load %arg13[%swap3A_77, %swap3A_78] : memref<4096x160xf32, #tpu.memory_space<vmem>>, vector<4096x8xf32>
    tpu.vector_store %arg13[%swap3A_77, %swap3A_78], %convert_element_type3A_76 {strides = array<i32>} : memref<4096x160xf32, #tpu.memory_space<vmem>>, vector<4096x8xf32>,
    %get3A_80 = arith.constant 0 : index
    %get3A_81 = arith.constant 32 : index
    %get3A_82 = vector.load %arg14[%get3A_80, %get3A_81] : memref<160x48xf32, #tpu.memory_space<vmem>>, vector<160x8xf32>
    %get3A_83 = arith.constant 0 : index
    %get3A_84 = arith.constant 0 : index
    %get3A_85 = vector.load %arg13[%get3A_83, %get3A_84] : memref<4096x160xf32, #tpu.memory_space<vmem>>, vector<4096x160xf32>
    %convert_element_type3A_86 = arith.truncf %get3A_85 : vector<4096x160xf32> to vector<4096x160xbf16>
    %convert_element_type3A_87 = arith.truncf %get3A_82 : vector<160x8xf32> to vector<160x8xbf16>
    %dot_general3A_88 = arith.constant dense<0.000000e+00> : vector<4096x8xf32>
    %dot_general3A_89 = tpu.matmul %convert_element_type3A_86, %convert_element_type3A_87, %dot_general3A_88 {dimension_numbers = #tpu.dot_dimension_numbers<[1], [0], [0], [1], [0, 0, 1, 1], [], []>, transpose_lhs_hint = false} : vector<4096x160xbf16>, vector<160x8xbf16>, vector<4096x8xf32> -> vector<4096x8xf32>
    %tanh3A_90 = math.tanh %dot_general3A_89 : vector<4096x8xf32>
    %convert_element_type3A_91 = arith.truncf %tanh3A_90 : vector<4096x8xf32> to vector<4096x8xbf16>
    %convert_element_type3A_92 = arith.extf %convert_element_type3A_91 : vector<4096x8xbf16> to vector<4096x8xf32>
    %swap3A_93 = arith.constant 0 : index
    %swap3A_94 = arith.constant 148 : index
    %swap3A_95 = vector.load %arg13[%swap3A_93, %swap3A_94] : memref<4096x160xf32, #tpu.memory_space<vmem>>, vector<4096x8xf32>
    tpu.vector_store %arg13[%swap3A_93, %swap3A_94], %convert_element_type3A_92 {strides = array<i32>} : memref<4096x160xf32, #tpu.memory_space<vmem>>, vector<4096x8xf32>,
    %get3A_96 = arith.constant 0 : index
    %get3A_97 = arith.constant 0 : index
    %get3A_98 = vector.load %arg13[%get3A_96, %get3A_97] : memref<4096x160xf32, #tpu.memory_space<vmem>>, vector<4096x160xf32>
    %convert_element_type3A_99 = arith.truncf %get3A_98 : vector<4096x160xf32> to vector<4096x160xbf16>
    %get3A_100 = arith.constant 0 : index
    %get3A_101 = arith.constant 40 : index
    %get3A_102 = vector.load %arg14[%get3A_100, %get3A_101] : memref<160x48xf32, #tpu.memory_space<vmem>>, vector<160x8xf32>
    %convert_element_type3A_103 = arith.truncf %get3A_102 : vector<160x8xf32> to vector<160x8xbf16>
    %dot_general3A_104 = arith.constant dense<0.000000e+00> : vector<4096x8xf32>
    %dot_general3A_105 = tpu.matmul %convert_element_type3A_99, %convert_element_type3A_103, %dot_general3A_104 {dimension_numbers = #tpu.dot_dimension_numbers<[1], [0], [0], [1], [0, 0, 1, 1], [], []>, transpose_lhs_hint = false} : vector<4096x160xbf16>, vector<160x8xbf16>, vector<4096x8xf32> -> vector<4096x8xf32>
    %get3A_106 = arith.constant 0 : index
    %get3A_107 = arith.constant 0 : index
    %get3A_108 = vector.load %arg8[%get3A_106, %get3A_107] : memref<1x2xf32, #tpu.memory_space<vmem>>, vector<1x2xf32>
    %broadcast_in_dim3A_109 = arith.constant 0.000000e+00 : f32
    %broadcast_in_dim3A_110 = vector.broadcast %broadcast_in_dim3A_109 : f32 to vector<1x6xf32>
    %concatenate3A = tpu.concatenate %get3A_108, %broadcast_in_dim3A_110 in 1 : vector<1x2xf32>, vector<1x6xf32> -> vector<1x8xf32>
    %add3A = vector.broadcast %concatenate3A : vector<1x8xf32> to vector<4096x8xf32>
    %add3A_111 = arith.addf %dot_general3A_105, %add3A : vector<4096x8xf32>
    %slice3A = vector.extract_strided_slice %add3A_111 {offsets = [0, 0], sizes = [4096, 1], strides = [1, 1]} : vector<4096x8xf32> to vector<4096x1xf32>
    %slice3A_112 = vector.extract_strided_slice %add3A_111 {offsets = [0, 1], sizes = [4096, 1], strides = [1, 1]} : vector<4096x8xf32> to vector<4096x1xf32>
    %convert_element_type3A_113 = arith.truncf %slice3A : vector<4096x1xf32> to vector<4096x1xbf16>
    %convert_element_type3A_114 = arith.extf %convert_element_type3A_113 : vector<4096x1xbf16> to vector<4096x1xf32>
    %convert_element_type3A_115 = arith.truncf %slice3A_112 : vector<4096x1xf32> to vector<4096x1xbf16>
    %convert_element_type3A_116 = arith.extf %convert_element_type3A_115 : vector<4096x1xbf16> to vector<4096x1xf32>
    %broadcast_in_dim3A_117 = arith.constant 0.000000e+00 : f32
    %broadcast_in_dim3A_118 = vector.broadcast %broadcast_in_dim3A_117 : f32 to vector<4096x1xf32>
    %concatenate3A_119 = tpu.concatenate %slice3A, %slice3A_112, %convert_element_type3A_114, %convert_element_type3A_116, %broadcast_in_dim3A_118, %broadcast_in_dim3A_118, %broadcast_in_dim3A_118, %broadcast_in_dim3A_118 in 1 : vector<4096x1xf32>, vector<4096x1xf32>, vector<4096x1xf32>, vector<4096x1xf32>, vector<4096x1xf32>, vector<4096x1xf32>, vector<4096x1xf32>, vector<4096x1xf32> -> vector<4096x8xf32>
    %swap3A_120 = arith.constant 0 : index
    %swap3A_121 = arith.constant 0 : index
    %swap3A_122 = vector.load %arg10[%swap3A_120, %swap3A_121] : memref<4096x8xf32, #tpu.memory_space<vmem>>, vector<4096x8xf32>
    tpu.vector_store %arg10[%swap3A_120, %swap3A_121], %concatenate3A_119 {strides = array<i32>} : memref<4096x8xf32, #tpu.memory_space<vmem>>, vector<4096x8xf32>,
    %transpose3A = tpu.transpose %concatenate3A_119, [1, 0] : vector<4096x8xf32> -> vector<8x4096xf32>
    %swap3A_123 = arith.constant 0 : index
    %swap3A_124 = arith.constant 0 : index
    %swap3A_125 = vector.load %arg11[%swap3A_123, %swap3A_124] : memref<8x4096xf32, #tpu.memory_space<vmem>>, vector<8x4096xf32>
    tpu.vector_store %arg11[%swap3A_123, %swap3A_124], %transpose3A {strides = array<i32>} : memref<8x4096xf32, #tpu.memory_space<vmem>>, vector<8x4096xf32>,
    %eq3A_126 = arith.constant 0 : i32
    %eq3A_127 = arith.cmpi eq, %arg0, %eq3A_126 : i32
    %convert_element_type3A_128 = arith.extui %eq3A_127 : i1 to i32
    %cond3A_129 = arith.constant 0 : i32
    %cond3A_130 = arith.cmpi ne, %convert_element_type3A_128, %cond3A_129 : i32
    scf.if %cond3A_130 {
      %get3A_131 = arith.constant 0 : index
      %get3A_132 = arith.constant 0 : index
      %get3A_133 = vector.load %arg9[%get3A_131, %get3A_132] : memref<250x2xf32, #tpu.memory_space<vmem>>, vector<250x2xf32>
      %slice3A_134 = vector.extract_strided_slice %get3A_133 {offsets = [0, 0], sizes = [250, 1], strides = [1, 1]} : vector<250x2xf32> to vector<250x1xf32>
      %slice3A_135 = vector.extract_strided_slice %get3A_133 {offsets = [0, 1], sizes = [250, 1], strides = [1, 1]} : vector<250x2xf32> to vector<250x1xf32>
      %mul3A = arith.mulf %slice3A_134, %slice3A_134 : vector<250x1xf32>
      %mul3A_136 = arith.mulf %slice3A_135, %slice3A_135 : vector<250x1xf32>
      %add3A_137 = arith.addf %mul3A, %mul3A_136 : vector<250x1xf32>
      %convert_element_type3A_138 = arith.truncf %slice3A_134 : vector<250x1xf32> to vector<250x1xbf16>
      %convert_element_type3A_139 = arith.extf %convert_element_type3A_138 : vector<250x1xbf16> to vector<250x1xf32>
      %mul3A_140 = arith.constant -2.000000e+00 : f32
      %mul3A_141 = vector.broadcast %mul3A_140 : f32 to vector<250x1xf32>
      %mul3A_142 = arith.mulf %mul3A_141, %convert_element_type3A_139 : vector<250x1xf32>
      %convert_element_type3A_143 = arith.truncf %slice3A_135 : vector<250x1xf32> to vector<250x1xbf16>
      %convert_element_type3A_144 = arith.extf %convert_element_type3A_143 : vector<250x1xbf16> to vector<250x1xf32>
      %mul3A_145 = arith.constant -2.000000e+00 : f32
      %mul3A_146 = vector.broadcast %mul3A_145 : f32 to vector<250x1xf32>
      %mul3A_147 = arith.mulf %mul3A_146, %convert_element_type3A_144 : vector<250x1xf32>
      %concatenate3A_148 = tpu.concatenate %mul3A_142, %mul3A_147, %add3A_137 in 1 : vector<250x1xf32>, vector<250x1xf32>, vector<250x1xf32> -> vector<250x3xf32>
      %broadcast_in_dim3A_149 = arith.constant 0.000000e+00 : f32
      %broadcast_in_dim3A_150 = vector.broadcast %broadcast_in_dim3A_149 : f32 to vector<6x2xf32>
      %broadcast_in_dim3A_151 = arith.constant 0x7F800000 : f32
      %broadcast_in_dim3A_152 = vector.broadcast %broadcast_in_dim3A_151 : f32 to vector<6x1xf32>
      %concatenate3A_153 = tpu.concatenate %broadcast_in_dim3A_150, %broadcast_in_dim3A_152 in 1 : vector<6x2xf32>, vector<6x1xf32> -> vector<6x3xf32>
      %concatenate3A_154 = tpu.concatenate %concatenate3A_148, %concatenate3A_153 in 0 : vector<250x3xf32>, vector<6x3xf32> -> vector<256x3xf32>
      %slice3A_155 = vector.extract_strided_slice %concatenate3A_154 {offsets = [0, 0], sizes = [256, 1], strides = [1, 1]} : vector<256x3xf32> to vector<256x1xf32>
      %broadcast_in_dim3A_156 = vector.shape_cast %slice3A_155 : vector<256x1xf32> to vector<256x1xf32>
      %broadcast_in_dim3A_157 = vector.broadcast %broadcast_in_dim3A_156 : vector<256x1xf32> to vector<256x16xf32>
      %slice3A_158 = vector.extract_strided_slice %concatenate3A_154 {offsets = [0, 1], sizes = [256, 1], strides = [1, 1]} : vector<256x3xf32> to vector<256x1xf32>
      %broadcast_in_dim3A_159 = vector.shape_cast %slice3A_158 : vector<256x1xf32> to vector<256x1xf32>
      %broadcast_in_dim3A_160 = vector.broadcast %broadcast_in_dim3A_159 : vector<256x1xf32> to vector<256x16xf32>
      %slice3A_161 = vector.extract_strided_slice %concatenate3A_154 {offsets = [0, 2], sizes = [256, 1], strides = [1, 1]} : vector<256x3xf32> to vector<256x1xf32>
      %broadcast_in_dim3A_162 = vector.shape_cast %slice3A_161 : vector<256x1xf32> to vector<256x1xf32>
      %broadcast_in_dim3A_163 = vector.broadcast %broadcast_in_dim3A_162 : vector<256x1xf32> to vector<256x16xf32>
      %concatenate3A_164 = tpu.concatenate %broadcast_in_dim3A_157, %broadcast_in_dim3A_160, %broadcast_in_dim3A_163 in 0 : vector<256x16xf32>, vector<256x16xf32>, vector<256x16xf32> -> vector<768x16xf32>
      %swap3A_165 = arith.constant 0 : index
      %swap3A_166 = arith.constant 0 : index
      %swap3A_167 = vector.load %arg12[%swap3A_165, %swap3A_166] : memref<768x16xf32, #tpu.memory_space<vmem>>, vector<768x16xf32>
      tpu.vector_store %arg12[%swap3A_165, %swap3A_166], %concatenate3A_164 {strides = array<i32>} : memref<768x16xf32, #tpu.memory_space<vmem>>, vector<768x16xf32>,
    } else {
    }
    return
  }
  func.func @transform_0(%arg0: i32) -> (i32, i32) {
    %add3A = arith.constant 2 : i32
    %add3A_0 = arith.addi %arg0, %add3A : i32
    %c0_i32 = arith.constant 0 : i32
    %c0_i32_1 = arith.constant 0 : i32
    return %add3A_0, %c0_i32 : i32, i32
  }
  func.func @transform_1(%arg0: i32) -> (i32, i32) {
    %c0_i32 = arith.constant 0 : i32
    %c0_i32_0 = arith.constant 0 : i32
    %c0_i32_1 = arith.constant 0 : i32
    return %c0_i32, %c0_i32_0 : i32, i32
  }
  func.func @transform_2(%arg0: i32) -> (i32, i32) {
    %c0_i32 = arith.constant 0 : i32
    %c0_i32_0 = arith.constant 0 : i32
    %c0_i32_1 = arith.constant 0 : i32
    return %c0_i32, %c0_i32_0 : i32, i32
  }
  func.func @transform_3(%arg0: i32) -> (i32, i32) {
    %c0_i32 = arith.constant 0 : i32
    %c0_i32_0 = arith.constant 0 : i32
    %c0_i32_1 = arith.constant 0 : i32
    return %c0_i32, %c0_i32_0 : i32, i32
  }
  func.func @transform_4(%arg0: i32) -> (i32, i32) {
    %c0_i32 = arith.constant 0 : i32
    %c0_i32_0 = arith.constant 0 : i32
    %c0_i32_1 = arith.constant 0 : i32
    return %c0_i32, %c0_i32_0 : i32, i32
  }
  func.func @transform_5(%arg0: i32) -> (i32, i32) {
    %c0_i32 = arith.constant 0 : i32
    %c0_i32_0 = arith.constant 0 : i32
    %c0_i32_1 = arith.constant 0 : i32
    return %c0_i32, %c0_i32_0 : i32, i32
  }
  func.func @transform_6(%arg0: i32) -> (i32, i32) {
    %c0_i32 = arith.constant 0 : i32
    %c0_i32_0 = arith.constant 0 : i32
    %c0_i32_1 = arith.constant 0 : i32
    return %c0_i32, %c0_i32_0 : i32, i32
  }
  func.func @transform_7(%arg0: i32) -> (i32, i32) {
    %c0_i32 = arith.constant 0 : i32
    %c0_i32_0 = arith.constant 0 : i32
    %c0_i32_1 = arith.constant 0 : i32
    return %c0_i32, %c0_i32_0 : i32, i32
  }
  func.func @transform_8(%arg0: i32) -> (i32, i32) {
    %c0_i32 = arith.constant 0 : i32
    %c0_i32_0 = arith.constant 0 : i32
    %c0_i32_1 = arith.constant 0 : i32
    return %c0_i32, %c0_i32_0 : i32, i32
  }
  func.func @transform_9(%arg0: i32) -> (i32, i32) {
    %c0_i32 = arith.constant 0 : i32
    %c0_i32_0 = arith.constant 0 : i32
    return %arg0, %c0_i32 : i32, i32
  }
  func.func @transform_10(%arg0: i32) -> (i32, i32) {
    %c0_i32 = arith.constant 0 : i32
    %c0_i32_0 = arith.constant 0 : i32
    return %c0_i32, %arg0 : i32, i32
  }
  func.func @transform_11(%arg0: i32) -> (i32, i32) {
    %c0_i32 = arith.constant 0 : i32
    %c0_i32_0 = arith.constant 0 : i32
    %c0_i32_1 = arith.constant 0 : i32
    return %c0_i32, %c0_i32_0 : i32, i32
  }
}

module attributes {stable_mosaic.version = 14 : i64} {
  func.func @_dense_body(%arg0: i32, %arg1: memref<4096x128xf32, #tpu.memory_space<vmem>>, %arg2: memref<128x5xf32, #tpu.memory_space<vmem>>, %arg3: memref<133x5xf32, #tpu.memory_space<vmem>>, %arg4: memref<138x5xf32, #tpu.memory_space<vmem>>, %arg5: memref<143x5xf32, #tpu.memory_space<vmem>>, %arg6: memref<148x5xf32, #tpu.memory_space<vmem>>, %arg7: memref<153x2xf32, #tpu.memory_space<vmem>>, %arg8: memref<1x2xf32, #tpu.memory_space<vmem>>, %arg9: memref<250x2xf32, #tpu.memory_space<vmem>>, %arg10: memref<4096x8xf32, #tpu.memory_space<vmem>>, %arg11: memref<8x4096xf32, #tpu.memory_space<vmem>>, %arg12: memref<768x16xf32, #tpu.memory_space<vmem>>, %arg13: memref<4096x160xf32, #tpu.memory_space<vmem>>, %arg14: memref<160x48xf32, #tpu.memory_space<vmem>>) attributes {dimension_semantics = [#tpu.dimension_semantics<arbitrary>], iteration_bounds = array<i64: 2>, scalar_prefetch = 0 : i64, scratch_operands = 2 : i64, tpu.core_type = #tpu.core_type<tc>, window_params = [{transform_indices = @transform_0, window_bounds = array<i64: 4096, 128>}, {pipeline_mode = #tpu.pipeline_mode<synchronous>, transform_indices = @transform_1, window_bounds = array<i64: 128, 5>}, {pipeline_mode = #tpu.pipeline_mode<synchronous>, transform_indices = @transform_2, window_bounds = array<i64: 133, 5>}, {pipeline_mode = #tpu.pipeline_mode<synchronous>, transform_indices = @transform_3, window_bounds = array<i64: 138, 5>}, {pipeline_mode = #tpu.pipeline_mode<synchronous>, transform_indices = @transform_4, window_bounds = array<i64: 143, 5>}, {pipeline_mode = #tpu.pipeline_mode<synchronous>, transform_indices = @transform_5, window_bounds = array<i64: 148, 5>}, {pipeline_mode = #tpu.pipeline_mode<synchronous>, transform_indices = @transform_6, window_bounds = array<i64: 153, 2>}, {pipeline_mode = #tpu.pipeline_mode<synchronous>, transform_indices = @transform_7, window_bounds = array<i64: 1, 2>}, {pipeline_mode = #tpu.pipeline_mode<synchronous>, transform_indices = @transform_8, window_bounds = array<i64: 250, 2>}, {transform_indices = @transform_9, window_bounds = array<i64: 4096, 8>}, {transform_indices = @transform_10, window_bounds = array<i64: 8, 4096>}, {pipeline_mode = #tpu.pipeline_mode<synchronous>, transform_indices = @transform_11, window_bounds = array<i64: 768, 16>}]} {
    %eq3A = arith.constant 0 : i32
    %eq3A_0 = arith.cmpi eq, %arg0, %eq3A : i32
    %convert_element_type3A = arith.extui %eq3A_0 : i1 to i32
    %cond3A = arith.constant 0 : i32
    %cond3A_1 = arith.cmpi ne, %convert_element_type3A, %cond3A : i32
    scf.if %cond3A_1 {
      %broadcast_in_dim3A_131 = arith.constant 0.000000e+00 : f32
      %broadcast_in_dim3A_132 = vector.broadcast %broadcast_in_dim3A_131 : f32 to vector<160x48xf32>
      %swap3A_133 = arith.constant 0 : index
      %swap3A_134 = arith.constant 0 : index
      %swap3A_135 = vector.load %arg14[%swap3A_133, %swap3A_134] : memref<160x48xf32, #tpu.memory_space<vmem>>, vector<160x48xf32>
      tpu.vector_store %arg14[%swap3A_133, %swap3A_134], %broadcast_in_dim3A_132 {strides = array<i32>} : memref<160x48xf32, #tpu.memory_space<vmem>>, vector<160x48xf32>,
      %get3A_136 = arith.constant 0 : index
      %get3A_137 = arith.constant 0 : index
      %get3A_138 = vector.load %arg2[%get3A_136, %get3A_137] : memref<128x5xf32, #tpu.memory_space<vmem>>, vector<128x5xf32>
      %swap3A_139 = arith.constant 0 : index
      %swap3A_140 = arith.constant 0 : index
      %swap3A_141 = vector.load %arg14[%swap3A_139, %swap3A_140] : memref<160x48xf32, #tpu.memory_space<vmem>>, vector<128x5xf32>
      tpu.vector_store %arg14[%swap3A_139, %swap3A_140], %get3A_138 {strides = array<i32>} : memref<160x48xf32, #tpu.memory_space<vmem>>, vector<128x5xf32>,
      %get3A_142 = arith.constant 0 : index
      %get3A_143 = arith.constant 0 : index
      %get3A_144 = vector.load %arg3[%get3A_142, %get3A_143] : memref<133x5xf32, #tpu.memory_space<vmem>>, vector<133x5xf32>
      %swap3A_145 = arith.constant 0 : index
      %swap3A_146 = arith.constant 8 : index
      %swap3A_147 = vector.load %arg14[%swap3A_145, %swap3A_146] : memref<160x48xf32, #tpu.memory_space<vmem>>, vector<133x5xf32>
      tpu.vector_store %arg14[%swap3A_145, %swap3A_146], %get3A_144 {strides = array<i32>} : memref<160x48xf32, #tpu.memory_space<vmem>>, vector<133x5xf32>,
      %get3A_148 = arith.constant 0 : index
      %get3A_149 = arith.constant 0 : index
      %get3A_150 = vector.load %arg4[%get3A_148, %get3A_149] : memref<138x5xf32, #tpu.memory_space<vmem>>, vector<138x5xf32>
      %swap3A_151 = arith.constant 0 : index
      %swap3A_152 = arith.constant 16 : index
      %swap3A_153 = vector.load %arg14[%swap3A_151, %swap3A_152] : memref<160x48xf32, #tpu.memory_space<vmem>>, vector<138x5xf32>
      tpu.vector_store %arg14[%swap3A_151, %swap3A_152], %get3A_150 {strides = array<i32>} : memref<160x48xf32, #tpu.memory_space<vmem>>, vector<138x5xf32>,
      %get3A_154 = arith.constant 0 : index
      %get3A_155 = arith.constant 0 : index
      %get3A_156 = vector.load %arg5[%get3A_154, %get3A_155] : memref<143x5xf32, #tpu.memory_space<vmem>>, vector<143x5xf32>
      %swap3A_157 = arith.constant 0 : index
      %swap3A_158 = arith.constant 24 : index
      %swap3A_159 = vector.load %arg14[%swap3A_157, %swap3A_158] : memref<160x48xf32, #tpu.memory_space<vmem>>, vector<143x5xf32>
      tpu.vector_store %arg14[%swap3A_157, %swap3A_158], %get3A_156 {strides = array<i32>} : memref<160x48xf32, #tpu.memory_space<vmem>>, vector<143x5xf32>,
      %get3A_160 = arith.constant 0 : index
      %get3A_161 = arith.constant 0 : index
      %get3A_162 = vector.load %arg6[%get3A_160, %get3A_161] : memref<148x5xf32, #tpu.memory_space<vmem>>, vector<148x5xf32>
      %swap3A_163 = arith.constant 0 : index
      %swap3A_164 = arith.constant 32 : index
      %swap3A_165 = vector.load %arg14[%swap3A_163, %swap3A_164] : memref<160x48xf32, #tpu.memory_space<vmem>>, vector<148x5xf32>
      tpu.vector_store %arg14[%swap3A_163, %swap3A_164], %get3A_162 {strides = array<i32>} : memref<160x48xf32, #tpu.memory_space<vmem>>, vector<148x5xf32>,
      %get3A_166 = arith.constant 0 : index
      %get3A_167 = arith.constant 0 : index
      %get3A_168 = vector.load %arg7[%get3A_166, %get3A_167] : memref<153x2xf32, #tpu.memory_space<vmem>>, vector<153x2xf32>
      %swap3A_169 = arith.constant 0 : index
      %swap3A_170 = arith.constant 40 : index
      %swap3A_171 = vector.load %arg14[%swap3A_169, %swap3A_170] : memref<160x48xf32, #tpu.memory_space<vmem>>, vector<153x2xf32>
      tpu.vector_store %arg14[%swap3A_169, %swap3A_170], %get3A_168 {strides = array<i32>} : memref<160x48xf32, #tpu.memory_space<vmem>>, vector<153x2xf32>,
    } else {
    }
    %get3A = arith.constant 0 : index
    %get3A_2 = arith.constant 0 : index
    %get3A_3 = vector.load %arg1[%get3A, %get3A_2] : memref<4096x128xf32, #tpu.memory_space<vmem>>, vector<4096x128xf32>
    %swap3A = arith.constant 0 : index
    %swap3A_4 = arith.constant 0 : index
    %swap3A_5 = vector.load %arg13[%swap3A, %swap3A_4] : memref<4096x160xf32, #tpu.memory_space<vmem>>, vector<4096x128xf32>
    tpu.vector_store %arg13[%swap3A, %swap3A_4], %get3A_3 {strides = array<i32>} : memref<4096x160xf32, #tpu.memory_space<vmem>>, vector<4096x128xf32>,
    %broadcast_in_dim3A = arith.constant 0.000000e+00 : f32
    %broadcast_in_dim3A_6 = vector.broadcast %broadcast_in_dim3A : f32 to vector<4096x32xf32>
    %swap3A_7 = arith.constant 0 : index
    %swap3A_8 = arith.constant 128 : index
    %swap3A_9 = vector.load %arg13[%swap3A_7, %swap3A_8] : memref<4096x160xf32, #tpu.memory_space<vmem>>, vector<4096x32xf32>
    tpu.vector_store %arg13[%swap3A_7, %swap3A_8], %broadcast_in_dim3A_6 {strides = array<i32>} : memref<4096x160xf32, #tpu.memory_space<vmem>>, vector<4096x32xf32>,
    %get3A_10 = arith.constant 0 : index
    %get3A_11 = arith.constant 0 : index
    %get3A_12 = vector.load %arg14[%get3A_10, %get3A_11] : memref<160x48xf32, #tpu.memory_space<vmem>>, vector<160x8xf32>
    %get3A_13 = arith.constant 0 : index
    %get3A_14 = arith.constant 0 : index
    %get3A_15 = vector.load %arg13[%get3A_13, %get3A_14] : memref<4096x160xf32, #tpu.memory_space<vmem>>, vector<4096x160xf32>
    %convert_element_type3A_16 = arith.truncf %get3A_15 : vector<4096x160xf32> to vector<4096x160xbf16>
    %convert_element_type3A_17 = arith.truncf %get3A_12 : vector<160x8xf32> to vector<160x8xbf16>
    %dot_general3A = arith.constant dense<0.000000e+00> : vector<4096x8xf32>
    %dot_general3A_18 = tpu.matmul %convert_element_type3A_16, %convert_element_type3A_17, %dot_general3A {dimension_numbers = #tpu.dot_dimension_numbers<[1], [0], [0], [1], [0, 0, 1, 1], [], []>, transpose_lhs_hint = false} : vector<4096x160xbf16>, vector<160x8xbf16>, vector<4096x8xf32> -> vector<4096x8xf32>
    %tanh3A = math.tanh %dot_general3A_18 : vector<4096x8xf32>
    %convert_element_type3A_19 = arith.truncf %tanh3A : vector<4096x8xf32> to vector<4096x8xbf16>
    %convert_element_type3A_20 = arith.extf %convert_element_type3A_19 : vector<4096x8xbf16> to vector<4096x8xf32>
    %get3A_21 = arith.constant 0 : index
    %get3A_22 = arith.constant 0 : index
    %get3A_23 = vector.load %arg1[%get3A_21, %get3A_22] : memref<4096x128xf32, #tpu.memory_space<vmem>>, vector<4096x128xf32>
    %convert_element_type3A_24 = arith.truncf %get3A_23 : vector<4096x128xf32> to vector<4096x128xbf16>
    %convert_element_type3A_25 = arith.extf %convert_element_type3A_24 : vector<4096x128xbf16> to vector<4096x128xf32>
    %swap3A_26 = arith.constant 0 : index
    %swap3A_27 = arith.constant 0 : index
    %swap3A_28 = vector.load %arg13[%swap3A_26, %swap3A_27] : memref<4096x160xf32, #tpu.memory_space<vmem>>, vector<4096x128xf32>
    tpu.vector_store %arg13[%swap3A_26, %swap3A_27], %convert_element_type3A_25 {strides = array<i32>} : memref<4096x160xf32, #tpu.memory_space<vmem>>, vector<4096x128xf32>,
    %swap3A_29 = arith.constant 0 : index
    %swap3A_30 = arith.constant 128 : index
    %swap3A_31 = vector.load %arg13[%swap3A_29, %swap3A_30] : memref<4096x160xf32, #tpu.memory_space<vmem>>, vector<4096x8xf32>
    tpu.vector_store %arg13[%swap3A_29, %swap3A_30], %convert_element_type3A_20 {strides = array<i32>} : memref<4096x160xf32, #tpu.memory_space<vmem>>, vector<4096x8xf32>,
    %get3A_32 = arith.constant 0 : index
    %get3A_33 = arith.constant 8 : index
    %get3A_34 = vector.load %arg14[%get3A_32, %get3A_33] : memref<160x48xf32, #tpu.memory_space<vmem>>, vector<160x8xf32>
    %get3A_35 = arith.constant 0 : index
    %get3A_36 = arith.constant 0 : index
    %get3A_37 = vector.load %arg13[%get3A_35, %get3A_36] : memref<4096x160xf32, #tpu.memory_space<vmem>>, vector<4096x160xf32>
    %convert_element_type3A_38 = arith.truncf %get3A_37 : vector<4096x160xf32> to vector<4096x160xbf16>
    %convert_element_type3A_39 = arith.truncf %get3A_34 : vector<160x8xf32> to vector<160x8xbf16>
    %dot_general3A_40 = arith.constant dense<0.000000e+00> : vector<4096x8xf32>
    %dot_general3A_41 = tpu.matmul %convert_element_type3A_38, %convert_element_type3A_39, %dot_general3A_40 {dimension_numbers = #tpu.dot_dimension_numbers<[1], [0], [0], [1], [0, 0, 1, 1], [], []>, transpose_lhs_hint = false} : vector<4096x160xbf16>, vector<160x8xbf16>, vector<4096x8xf32> -> vector<4096x8xf32>
    %tanh3A_42 = math.tanh %dot_general3A_41 : vector<4096x8xf32>
    %convert_element_type3A_43 = arith.truncf %tanh3A_42 : vector<4096x8xf32> to vector<4096x8xbf16>
    %convert_element_type3A_44 = arith.extf %convert_element_type3A_43 : vector<4096x8xbf16> to vector<4096x8xf32>
    %swap3A_45 = arith.constant 0 : index
    %swap3A_46 = arith.constant 133 : index
    %swap3A_47 = vector.load %arg13[%swap3A_45, %swap3A_46] : memref<4096x160xf32, #tpu.memory_space<vmem>>, vector<4096x8xf32>
    tpu.vector_store %arg13[%swap3A_45, %swap3A_46], %convert_element_type3A_44 {strides = array<i32>} : memref<4096x160xf32, #tpu.memory_space<vmem>>, vector<4096x8xf32>,
    %get3A_48 = arith.constant 0 : index
    %get3A_49 = arith.constant 16 : index
    %get3A_50 = vector.load %arg14[%get3A_48, %get3A_49] : memref<160x48xf32, #tpu.memory_space<vmem>>, vector<160x8xf32>
    %get3A_51 = arith.constant 0 : index
    %get3A_52 = arith.constant 0 : index
    %get3A_53 = vector.load %arg13[%get3A_51, %get3A_52] : memref<4096x160xf32, #tpu.memory_space<vmem>>, vector<4096x160xf32>
    %convert_element_type3A_54 = arith.truncf %get3A_53 : vector<4096x160xf32> to vector<4096x160xbf16>
    %convert_element_type3A_55 = arith.truncf %get3A_50 : vector<160x8xf32> to vector<160x8xbf16>
    %dot_general3A_56 = arith.constant dense<0.000000e+00> : vector<4096x8xf32>
    %dot_general3A_57 = tpu.matmul %convert_element_type3A_54, %convert_element_type3A_55, %dot_general3A_56 {dimension_numbers = #tpu.dot_dimension_numbers<[1], [0], [0], [1], [0, 0, 1, 1], [], []>, transpose_lhs_hint = false} : vector<4096x160xbf16>, vector<160x8xbf16>, vector<4096x8xf32> -> vector<4096x8xf32>
    %tanh3A_58 = math.tanh %dot_general3A_57 : vector<4096x8xf32>
    %convert_element_type3A_59 = arith.truncf %tanh3A_58 : vector<4096x8xf32> to vector<4096x8xbf16>
    %convert_element_type3A_60 = arith.extf %convert_element_type3A_59 : vector<4096x8xbf16> to vector<4096x8xf32>
    %swap3A_61 = arith.constant 0 : index
    %swap3A_62 = arith.constant 138 : index
    %swap3A_63 = vector.load %arg13[%swap3A_61, %swap3A_62] : memref<4096x160xf32, #tpu.memory_space<vmem>>, vector<4096x8xf32>
    tpu.vector_store %arg13[%swap3A_61, %swap3A_62], %convert_element_type3A_60 {strides = array<i32>} : memref<4096x160xf32, #tpu.memory_space<vmem>>, vector<4096x8xf32>,
    %get3A_64 = arith.constant 0 : index
    %get3A_65 = arith.constant 24 : index
    %get3A_66 = vector.load %arg14[%get3A_64, %get3A_65] : memref<160x48xf32, #tpu.memory_space<vmem>>, vector<160x8xf32>
    %get3A_67 = arith.constant 0 : index
    %get3A_68 = arith.constant 0 : index
    %get3A_69 = vector.load %arg13[%get3A_67, %get3A_68] : memref<4096x160xf32, #tpu.memory_space<vmem>>, vector<4096x160xf32>
    %convert_element_type3A_70 = arith.truncf %get3A_69 : vector<4096x160xf32> to vector<4096x160xbf16>
    %convert_element_type3A_71 = arith.truncf %get3A_66 : vector<160x8xf32> to vector<160x8xbf16>
    %dot_general3A_72 = arith.constant dense<0.000000e+00> : vector<4096x8xf32>
    %dot_general3A_73 = tpu.matmul %convert_element_type3A_70, %convert_element_type3A_71, %dot_general3A_72 {dimension_numbers = #tpu.dot_dimension_numbers<[1], [0], [0], [1], [0, 0, 1, 1], [], []>, transpose_lhs_hint = false} : vector<4096x160xbf16>, vector<160x8xbf16>, vector<4096x8xf32> -> vector<4096x8xf32>
    %tanh3A_74 = math.tanh %dot_general3A_73 : vector<4096x8xf32>
    %convert_element_type3A_75 = arith.truncf %tanh3A_74 : vector<4096x8xf32> to vector<4096x8xbf16>
    %convert_element_type3A_76 = arith.extf %convert_element_type3A_75 : vector<4096x8xbf16> to vector<4096x8xf32>
    %swap3A_77 = arith.constant 0 : index
    %swap3A_78 = arith.constant 143 : index
    %swap3A_79 = vector.load %arg13[%swap3A_77, %swap3A_78] : memref<4096x160xf32, #tpu.memory_space<vmem>>, vector<4096x8xf32>
    tpu.vector_store %arg13[%swap3A_77, %swap3A_78], %convert_element_type3A_76 {strides = array<i32>} : memref<4096x160xf32, #tpu.memory_space<vmem>>, vector<4096x8xf32>,
    %get3A_80 = arith.constant 0 : index
    %get3A_81 = arith.constant 32 : index
    %get3A_82 = vector.load %arg14[%get3A_80, %get3A_81] : memref<160x48xf32, #tpu.memory_space<vmem>>, vector<160x8xf32>
    %get3A_83 = arith.constant 0 : index
    %get3A_84 = arith.constant 0 : index
    %get3A_85 = vector.load %arg13[%get3A_83, %get3A_84] : memref<4096x160xf32, #tpu.memory_space<vmem>>, vector<4096x160xf32>
    %convert_element_type3A_86 = arith.truncf %get3A_85 : vector<4096x160xf32> to vector<4096x160xbf16>
    %convert_element_type3A_87 = arith.truncf %get3A_82 : vector<160x8xf32> to vector<160x8xbf16>
    %dot_general3A_88 = arith.constant dense<0.000000e+00> : vector<4096x8xf32>
    %dot_general3A_89 = tpu.matmul %convert_element_type3A_86, %convert_element_type3A_87, %dot_general3A_88 {dimension_numbers = #tpu.dot_dimension_numbers<[1], [0], [0], [1], [0, 0, 1, 1], [], []>, transpose_lhs_hint = false} : vector<4096x160xbf16>, vector<160x8xbf16>, vector<4096x8xf32> -> vector<4096x8xf32>
    %tanh3A_90 = math.tanh %dot_general3A_89 : vector<4096x8xf32>
    %convert_element_type3A_91 = arith.truncf %tanh3A_90 : vector<4096x8xf32> to vector<4096x8xbf16>
    %convert_element_type3A_92 = arith.extf %convert_element_type3A_91 : vector<4096x8xbf16> to vector<4096x8xf32>
    %swap3A_93 = arith.constant 0 : index
    %swap3A_94 = arith.constant 148 : index
    %swap3A_95 = vector.load %arg13[%swap3A_93, %swap3A_94] : memref<4096x160xf32, #tpu.memory_space<vmem>>, vector<4096x8xf32>
    tpu.vector_store %arg13[%swap3A_93, %swap3A_94], %convert_element_type3A_92 {strides = array<i32>} : memref<4096x160xf32, #tpu.memory_space<vmem>>, vector<4096x8xf32>,
    %get3A_96 = arith.constant 0 : index
    %get3A_97 = arith.constant 0 : index
    %get3A_98 = vector.load %arg13[%get3A_96, %get3A_97] : memref<4096x160xf32, #tpu.memory_space<vmem>>, vector<4096x160xf32>
    %convert_element_type3A_99 = arith.truncf %get3A_98 : vector<4096x160xf32> to vector<4096x160xbf16>
    %get3A_100 = arith.constant 0 : index
    %get3A_101 = arith.constant 40 : index
    %get3A_102 = vector.load %arg14[%get3A_100, %get3A_101] : memref<160x48xf32, #tpu.memory_space<vmem>>, vector<160x8xf32>
    %convert_element_type3A_103 = arith.truncf %get3A_102 : vector<160x8xf32> to vector<160x8xbf16>
    %dot_general3A_104 = arith.constant dense<0.000000e+00> : vector<4096x8xf32>
    %dot_general3A_105 = tpu.matmul %convert_element_type3A_99, %convert_element_type3A_103, %dot_general3A_104 {dimension_numbers = #tpu.dot_dimension_numbers<[1], [0], [0], [1], [0, 0, 1, 1], [], []>, transpose_lhs_hint = false} : vector<4096x160xbf16>, vector<160x8xbf16>, vector<4096x8xf32> -> vector<4096x8xf32>
    %get3A_106 = arith.constant 0 : index
    %get3A_107 = arith.constant 0 : index
    %get3A_108 = vector.load %arg8[%get3A_106, %get3A_107] : memref<1x2xf32, #tpu.memory_space<vmem>>, vector<1x2xf32>
    %broadcast_in_dim3A_109 = arith.constant 0.000000e+00 : f32
    %broadcast_in_dim3A_110 = vector.broadcast %broadcast_in_dim3A_109 : f32 to vector<1x6xf32>
    %concatenate3A = tpu.concatenate %get3A_108, %broadcast_in_dim3A_110 in 1 : vector<1x2xf32>, vector<1x6xf32> -> vector<1x8xf32>
    %add3A = vector.broadcast %concatenate3A : vector<1x8xf32> to vector<4096x8xf32>
    %add3A_111 = arith.addf %dot_general3A_105, %add3A : vector<4096x8xf32>
    %slice3A = vector.extract_strided_slice %add3A_111 {offsets = [0, 0], sizes = [4096, 1], strides = [1, 1]} : vector<4096x8xf32> to vector<4096x1xf32>
    %slice3A_112 = vector.extract_strided_slice %add3A_111 {offsets = [0, 1], sizes = [4096, 1], strides = [1, 1]} : vector<4096x8xf32> to vector<4096x1xf32>
    %convert_element_type3A_113 = arith.truncf %slice3A : vector<4096x1xf32> to vector<4096x1xbf16>
    %convert_element_type3A_114 = arith.extf %convert_element_type3A_113 : vector<4096x1xbf16> to vector<4096x1xf32>
    %convert_element_type3A_115 = arith.truncf %slice3A_112 : vector<4096x1xf32> to vector<4096x1xbf16>
    %convert_element_type3A_116 = arith.extf %convert_element_type3A_115 : vector<4096x1xbf16> to vector<4096x1xf32>
    %broadcast_in_dim3A_117 = arith.constant 0.000000e+00 : f32
    %broadcast_in_dim3A_118 = vector.broadcast %broadcast_in_dim3A_117 : f32 to vector<4096x1xf32>
    %concatenate3A_119 = tpu.concatenate %slice3A, %slice3A_112, %convert_element_type3A_114, %convert_element_type3A_116, %broadcast_in_dim3A_118, %broadcast_in_dim3A_118, %broadcast_in_dim3A_118, %broadcast_in_dim3A_118 in 1 : vector<4096x1xf32>, vector<4096x1xf32>, vector<4096x1xf32>, vector<4096x1xf32>, vector<4096x1xf32>, vector<4096x1xf32>, vector<4096x1xf32>, vector<4096x1xf32> -> vector<4096x8xf32>
    %swap3A_120 = arith.constant 0 : index
    %swap3A_121 = arith.constant 0 : index
    %swap3A_122 = vector.load %arg10[%swap3A_120, %swap3A_121] : memref<4096x8xf32, #tpu.memory_space<vmem>>, vector<4096x8xf32>
    tpu.vector_store %arg10[%swap3A_120, %swap3A_121], %concatenate3A_119 {strides = array<i32>} : memref<4096x8xf32, #tpu.memory_space<vmem>>, vector<4096x8xf32>,
    %transpose3A = tpu.transpose %concatenate3A_119, [1, 0] : vector<4096x8xf32> -> vector<8x4096xf32>
    %swap3A_123 = arith.constant 0 : index
    %swap3A_124 = arith.constant 0 : index
    %swap3A_125 = vector.load %arg11[%swap3A_123, %swap3A_124] : memref<8x4096xf32, #tpu.memory_space<vmem>>, vector<8x4096xf32>
    tpu.vector_store %arg11[%swap3A_123, %swap3A_124], %transpose3A {strides = array<i32>} : memref<8x4096xf32, #tpu.memory_space<vmem>>, vector<8x4096xf32>,
    %eq3A_126 = arith.constant 0 : i32
    %eq3A_127 = arith.cmpi eq, %arg0, %eq3A_126 : i32
    %convert_element_type3A_128 = arith.extui %eq3A_127 : i1 to i32
    %cond3A_129 = arith.constant 0 : i32
    %cond3A_130 = arith.cmpi ne, %convert_element_type3A_128, %cond3A_129 : i32
    scf.if %cond3A_130 {
      %get3A_131 = arith.constant 0 : index
      %get3A_132 = arith.constant 0 : index
      %get3A_133 = vector.load %arg9[%get3A_131, %get3A_132] : memref<250x2xf32, #tpu.memory_space<vmem>>, vector<250x2xf32>
      %slice3A_134 = vector.extract_strided_slice %get3A_133 {offsets = [0, 0], sizes = [250, 1], strides = [1, 1]} : vector<250x2xf32> to vector<250x1xf32>
      %slice3A_135 = vector.extract_strided_slice %get3A_133 {offsets = [0, 1], sizes = [250, 1], strides = [1, 1]} : vector<250x2xf32> to vector<250x1xf32>
      %mul3A = arith.mulf %slice3A_134, %slice3A_134 : vector<250x1xf32>
      %mul3A_136 = arith.mulf %slice3A_135, %slice3A_135 : vector<250x1xf32>
      %add3A_137 = arith.addf %mul3A, %mul3A_136 : vector<250x1xf32>
      %convert_element_type3A_138 = arith.truncf %slice3A_134 : vector<250x1xf32> to vector<250x1xbf16>
      %convert_element_type3A_139 = arith.extf %convert_element_type3A_138 : vector<250x1xbf16> to vector<250x1xf32>
      %mul3A_140 = arith.constant -2.000000e+00 : f32
      %mul3A_141 = vector.broadcast %mul3A_140 : f32 to vector<250x1xf32>
      %mul3A_142 = arith.mulf %mul3A_141, %convert_element_type3A_139 : vector<250x1xf32>
      %convert_element_type3A_143 = arith.truncf %slice3A_135 : vector<250x1xf32> to vector<250x1xbf16>
      %convert_element_type3A_144 = arith.extf %convert_element_type3A_143 : vector<250x1xbf16> to vector<250x1xf32>
      %mul3A_145 = arith.constant -2.000000e+00 : f32
      %mul3A_146 = vector.broadcast %mul3A_145 : f32 to vector<250x1xf32>
      %mul3A_147 = arith.mulf %mul3A_146, %convert_element_type3A_144 : vector<250x1xf32>
      %concatenate3A_148 = tpu.concatenate %mul3A_142, %mul3A_147, %add3A_137 in 1 : vector<250x1xf32>, vector<250x1xf32>, vector<250x1xf32> -> vector<250x3xf32>
      %broadcast_in_dim3A_149 = arith.constant 0.000000e+00 : f32
      %broadcast_in_dim3A_150 = vector.broadcast %broadcast_in_dim3A_149 : f32 to vector<6x2xf32>
      %broadcast_in_dim3A_151 = arith.constant 0x7F800000 : f32
      %broadcast_in_dim3A_152 = vector.broadcast %broadcast_in_dim3A_151 : f32 to vector<6x1xf32>
      %concatenate3A_153 = tpu.concatenate %broadcast_in_dim3A_150, %broadcast_in_dim3A_152 in 1 : vector<6x2xf32>, vector<6x1xf32> -> vector<6x3xf32>
      %concatenate3A_154 = tpu.concatenate %concatenate3A_148, %concatenate3A_153 in 0 : vector<250x3xf32>, vector<6x3xf32> -> vector<256x3xf32>
      %slice3A_155 = vector.extract_strided_slice %concatenate3A_154 {offsets = [0, 0], sizes = [256, 1], strides = [1, 1]} : vector<256x3xf32> to vector<256x1xf32>
      %broadcast_in_dim3A_156 = vector.shape_cast %slice3A_155 : vector<256x1xf32> to vector<256x1xf32>
      %broadcast_in_dim3A_157 = vector.broadcast %broadcast_in_dim3A_156 : vector<256x1xf32> to vector<256x16xf32>
      %slice3A_158 = vector.extract_strided_slice %concatenate3A_154 {offsets = [0, 1], sizes = [256, 1], strides = [1, 1]} : vector<256x3xf32> to vector<256x1xf32>
      %broadcast_in_dim3A_159 = vector.shape_cast %slice3A_158 : vector<256x1xf32> to vector<256x1xf32>
      %broadcast_in_dim3A_160 = vector.broadcast %broadcast_in_dim3A_159 : vector<256x1xf32> to vector<256x16xf32>
      %slice3A_161 = vector.extract_strided_slice %concatenate3A_154 {offsets = [0, 2], sizes = [256, 1], strides = [1, 1]} : vector<256x3xf32> to vector<256x1xf32>
      %broadcast_in_dim3A_162 = vector.shape_cast %slice3A_161 : vector<256x1xf32> to vector<256x1xf32>
      %broadcast_in_dim3A_163 = vector.broadcast %broadcast_in_dim3A_162 : vector<256x1xf32> to vector<256x16xf32>
      %concatenate3A_164 = tpu.concatenate %broadcast_in_dim3A_157, %broadcast_in_dim3A_160, %broadcast_in_dim3A_163 in 0 : vector<256x16xf32>, vector<256x16xf32>, vector<256x16xf32> -> vector<768x16xf32>
      %swap3A_165 = arith.constant 0 : index
      %swap3A_166 = arith.constant 0 : index
      %swap3A_167 = vector.load %arg12[%swap3A_165, %swap3A_166] : memref<768x16xf32, #tpu.memory_space<vmem>>, vector<768x16xf32>
      tpu.vector_store %arg12[%swap3A_165, %swap3A_166], %concatenate3A_164 {strides = array<i32>} : memref<768x16xf32, #tpu.memory_space<vmem>>, vector<768x16xf32>,
    } else {
    }
    return
  }
  func.func @transform_0(%arg0: i32) -> (i32, i32) {
    %add3A = arith.constant 0 : i32
    %add3A_0 = arith.addi %arg0, %add3A : i32
    %c0_i32 = arith.constant 0 : i32
    %c0_i32_1 = arith.constant 0 : i32
    return %add3A_0, %c0_i32 : i32, i32
  }
  func.func @transform_1(%arg0: i32) -> (i32, i32) {
    %c0_i32 = arith.constant 0 : i32
    %c0_i32_0 = arith.constant 0 : i32
    %c0_i32_1 = arith.constant 0 : i32
    return %c0_i32, %c0_i32_0 : i32, i32
  }
  func.func @transform_2(%arg0: i32) -> (i32, i32) {
    %c0_i32 = arith.constant 0 : i32
    %c0_i32_0 = arith.constant 0 : i32
    %c0_i32_1 = arith.constant 0 : i32
    return %c0_i32, %c0_i32_0 : i32, i32
  }
  func.func @transform_3(%arg0: i32) -> (i32, i32) {
    %c0_i32 = arith.constant 0 : i32
    %c0_i32_0 = arith.constant 0 : i32
    %c0_i32_1 = arith.constant 0 : i32
    return %c0_i32, %c0_i32_0 : i32, i32
  }
  func.func @transform_4(%arg0: i32) -> (i32, i32) {
    %c0_i32 = arith.constant 0 : i32
    %c0_i32_0 = arith.constant 0 : i32
    %c0_i32_1 = arith.constant 0 : i32
    return %c0_i32, %c0_i32_0 : i32, i32
  }
  func.func @transform_5(%arg0: i32) -> (i32, i32) {
    %c0_i32 = arith.constant 0 : i32
    %c0_i32_0 = arith.constant 0 : i32
    %c0_i32_1 = arith.constant 0 : i32
    return %c0_i32, %c0_i32_0 : i32, i32
  }
  func.func @transform_6(%arg0: i32) -> (i32, i32) {
    %c0_i32 = arith.constant 0 : i32
    %c0_i32_0 = arith.constant 0 : i32
    %c0_i32_1 = arith.constant 0 : i32
    return %c0_i32, %c0_i32_0 : i32, i32
  }
  func.func @transform_7(%arg0: i32) -> (i32, i32) {
    %c0_i32 = arith.constant 0 : i32
    %c0_i32_0 = arith.constant 0 : i32
    %c0_i32_1 = arith.constant 0 : i32
    return %c0_i32, %c0_i32_0 : i32, i32
  }
  func.func @transform_8(%arg0: i32) -> (i32, i32) {
    %c0_i32 = arith.constant 0 : i32
    %c0_i32_0 = arith.constant 0 : i32
    %c0_i32_1 = arith.constant 0 : i32
    return %c0_i32, %c0_i32_0 : i32, i32
  }
  func.func @transform_9(%arg0: i32) -> (i32, i32) {
    %c0_i32 = arith.constant 0 : i32
    %c0_i32_0 = arith.constant 0 : i32
    return %arg0, %c0_i32 : i32, i32
  }
  func.func @transform_10(%arg0: i32) -> (i32, i32) {
    %c0_i32 = arith.constant 0 : i32
    %c0_i32_0 = arith.constant 0 : i32
    return %c0_i32, %arg0 : i32, i32
  }
  func.func @transform_11(%arg0: i32) -> (i32, i32) {
    %c0_i32 = arith.constant 0 : i32
    %c0_i32_0 = arith.constant 0 : i32
    %c0_i32_1 = arith.constant 0 : i32
    return %c0_i32, %c0_i32_0 : i32, i32
  }
}

module attributes {stable_mosaic.version = 14 : i64} {
  func.func @_combine_body(%arg0: i32, %arg1: memref<8x4096xi32, #tpu.memory_space<vmem>>, %arg2: memref<4096x8xf32, #tpu.memory_space<vmem>>, %arg3: memref<250x4xf32, #tpu.memory_space<vmem>>, %arg4: memref<250x2xf32, #tpu.memory_space<vmem>>, %arg5: memref<250x2xf32, #tpu.memory_space<vmem>>, %arg6: memref<4096x2xf32, #tpu.memory_space<vmem>>) attributes {dimension_semantics = [#tpu.dimension_semantics<arbitrary>], iteration_bounds = array<i64: 2>, scalar_prefetch = 0 : i64, scratch_operands = 0 : i64, tpu.core_type = #tpu.core_type<tc>, window_params = [{transform_indices = @transform_0, window_bounds = array<i64: 8, 4096>}, {transform_indices = @transform_1, window_bounds = array<i64: 4096, 8>}, {pipeline_mode = #tpu.pipeline_mode<synchronous>, transform_indices = @transform_2, window_bounds = array<i64: 250, 4>}, {pipeline_mode = #tpu.pipeline_mode<synchronous>, transform_indices = @transform_3, window_bounds = array<i64: 250, 2>}, {pipeline_mode = #tpu.pipeline_mode<synchronous>, transform_indices = @transform_4, window_bounds = array<i64: 250, 2>}, {transform_indices = @transform_5, window_bounds = array<i64: 4096, 2>}]} {
    %iota3A = tpu.iota {dimensions = array<i32: 0>} : vector<256x4096xi32>
    %get3A = arith.constant 0 : index
    %get3A_0 = arith.constant 0 : index
    %get3A_1 = vector.load %arg1[%get3A, %get3A_0] : memref<8x4096xi32, #tpu.memory_space<vmem>>, vector<1x4096xi32>
    %eq3A = vector.broadcast %get3A_1 : vector<1x4096xi32> to vector<256x4096xi32>
    %eq3A_2 = arith.cmpi eq, %iota3A, %eq3A : vector<256x4096xi32>
    %get3A_3 = arith.constant 1 : index
    %get3A_4 = arith.constant 0 : index
    %get3A_5 = vector.load %arg1[%get3A_3, %get3A_4] : memref<8x4096xi32, #tpu.memory_space<vmem>>, vector<1x4096xi32>
    %eq3A_6 = vector.broadcast %get3A_5 : vector<1x4096xi32> to vector<256x4096xi32>
    %eq3A_7 = arith.cmpi eq, %iota3A, %eq3A_6 : vector<256x4096xi32>
    %or3A = arith.ori %eq3A_2, %eq3A_7 : vector<256x4096xi1>
    %get3A_8 = arith.constant 2 : index
    %get3A_9 = arith.constant 0 : index
    %get3A_10 = vector.load %arg1[%get3A_8, %get3A_9] : memref<8x4096xi32, #tpu.memory_space<vmem>>, vector<1x4096xi32>
    %eq3A_11 = vector.broadcast %get3A_10 : vector<1x4096xi32> to vector<256x4096xi32>
    %eq3A_12 = arith.cmpi eq, %iota3A, %eq3A_11 : vector<256x4096xi32>
    %or3A_13 = arith.ori %or3A, %eq3A_12 : vector<256x4096xi1>
    %get3A_14 = arith.constant 3 : index
    %get3A_15 = arith.constant 0 : index
    %get3A_16 = vector.load %arg1[%get3A_14, %get3A_15] : memref<8x4096xi32, #tpu.memory_space<vmem>>, vector<1x4096xi32>
    %eq3A_17 = vector.broadcast %get3A_16 : vector<1x4096xi32> to vector<256x4096xi32>
    %eq3A_18 = arith.cmpi eq, %iota3A, %eq3A_17 : vector<256x4096xi32>
    %or3A_19 = arith.ori %or3A_13, %eq3A_18 : vector<256x4096xi1>
    %get3A_20 = arith.constant 4 : index
    %get3A_21 = arith.constant 0 : index
    %get3A_22 = vector.load %arg1[%get3A_20, %get3A_21] : memref<8x4096xi32, #tpu.memory_space<vmem>>, vector<1x4096xi32>
    %eq3A_23 = vector.broadcast %get3A_22 : vector<1x4096xi32> to vector<256x4096xi32>
    %eq3A_24 = arith.cmpi eq, %iota3A, %eq3A_23 : vector<256x4096xi32>
    %or3A_25 = arith.ori %or3A_19, %eq3A_24 : vector<256x4096xi1>
    %convert_element_type3A = arith.extui %or3A_25 : vector<256x4096xi1> to vector<256x4096xi32>
    %convert_element_type3A_26 = arith.sitofp %convert_element_type3A : vector<256x4096xi32> to vector<256x4096xf32>
    %get3A_27 = arith.constant 0 : index
    %get3A_28 = arith.constant 0 : index
    %get3A_29 = vector.load %arg3[%get3A_27, %get3A_28] : memref<250x4xf32, #tpu.memory_space<vmem>>, vector<250x1xf32>
    %get3A_30 = arith.constant 0 : index
    %get3A_31 = arith.constant 1 : index
    %get3A_32 = vector.load %arg3[%get3A_30, %get3A_31] : memref<250x4xf32, #tpu.memory_space<vmem>>, vector<250x1xf32>
    %get3A_33 = arith.constant 0 : index
    %get3A_34 = arith.constant 2 : index
    %get3A_35 = vector.load %arg3[%get3A_33, %get3A_34] : memref<250x4xf32, #tpu.memory_space<vmem>>, vector<250x1xf32>
    %get3A_36 = arith.constant 0 : index
    %get3A_37 = arith.constant 3 : index
    %get3A_38 = vector.load %arg3[%get3A_36, %get3A_37] : memref<250x4xf32, #tpu.memory_space<vmem>>, vector<250x1xf32>
    %get3A_39 = arith.constant 0 : index
    %get3A_40 = arith.constant 0 : index
    %get3A_41 = vector.load %arg4[%get3A_39, %get3A_40] : memref<250x2xf32, #tpu.memory_space<vmem>>, vector<250x1xf32>
    %get3A_42 = arith.constant 0 : index
    %get3A_43 = arith.constant 1 : index
    %get3A_44 = vector.load %arg4[%get3A_42, %get3A_43] : memref<250x2xf32, #tpu.memory_space<vmem>>, vector<250x1xf32>
    %get3A_45 = arith.constant 0 : index
    %get3A_46 = arith.constant 0 : index
    %get3A_47 = vector.load %arg5[%get3A_45, %get3A_46] : memref<250x2xf32, #tpu.memory_space<vmem>>, vector<250x1xf32>
    %get3A_48 = arith.constant 0 : index
    %get3A_49 = arith.constant 1 : index
    %get3A_50 = vector.load %arg5[%get3A_48, %get3A_49] : memref<250x2xf32, #tpu.memory_space<vmem>>, vector<250x1xf32>
    %broadcast_in_dim3A = arith.constant 0.000000e+00 : f32
    %broadcast_in_dim3A_51 = vector.broadcast %broadcast_in_dim3A : f32 to vector<250x1xf32>
    %mul3A = arith.mulf %get3A_47, %get3A_29 : vector<250x1xf32>
    %sub3A = arith.subf %get3A_41, %mul3A : vector<250x1xf32>
    %mul3A_52 = arith.mulf %get3A_50, %get3A_35 : vector<250x1xf32>
    %sub3A_53 = arith.subf %sub3A, %mul3A_52 : vector<250x1xf32>
    %mul3A_54 = arith.mulf %get3A_47, %get3A_32 : vector<250x1xf32>
    %sub3A_55 = arith.subf %get3A_44, %mul3A_54 : vector<250x1xf32>
    %mul3A_56 = arith.mulf %get3A_50, %get3A_38 : vector<250x1xf32>
    %sub3A_57 = arith.subf %sub3A_55, %mul3A_56 : vector<250x1xf32>
    %concatenate3A = tpu.concatenate %sub3A_53, %sub3A_57, %get3A_29, %get3A_32, %get3A_35, %get3A_38, %broadcast_in_dim3A_51, %broadcast_in_dim3A_51 in 1 : vector<250x1xf32>, vector<250x1xf32>, vector<250x1xf32>, vector<250x1xf32>, vector<250x1xf32>, vector<250x1xf32>, vector<250x1xf32>, vector<250x1xf32> -> vector<250x8xf32>
    %broadcast_in_dim3A_58 = arith.constant 0.000000e+00 : f32
    %broadcast_in_dim3A_59 = vector.broadcast %broadcast_in_dim3A_58 : f32 to vector<6x8xf32>
    %concatenate3A_60 = tpu.concatenate %concatenate3A, %broadcast_in_dim3A_59 in 0 : vector<250x8xf32>, vector<6x8xf32> -> vector<256x8xf32>
    %dot_general3A = arith.constant dense<0.000000e+00> : vector<4096x8xf32>
    %dot_general3A_61 = tpu.matmul %convert_element_type3A_26, %concatenate3A_60, %dot_general3A {dimension_numbers = #tpu.dot_dimension_numbers<[0], [0], [1], [1], [0, 1, 1, 1], [], []>, precision = #tpu.contract_precision<fp32>, transpose_lhs_hint = false} : vector<256x4096xf32>, vector<256x8xf32>, vector<4096x8xf32> -> vector<4096x8xf32>
    %get3A_62 = arith.constant 0 : index
    %get3A_63 = arith.constant 0 : index
    %get3A_64 = vector.load %arg2[%get3A_62, %get3A_63] : memref<4096x8xf32, #tpu.memory_space<vmem>>, vector<4096x1xf32>
    %get3A_65 = arith.constant 0 : index
    %get3A_66 = arith.constant 1 : index
    %get3A_67 = vector.load %arg2[%get3A_65, %get3A_66] : memref<4096x8xf32, #tpu.memory_space<vmem>>, vector<4096x1xf32>
    %slice3A = vector.extract_strided_slice %dot_general3A_61 {offsets = [0, 0], sizes = [4096, 1], strides = [1, 1]} : vector<4096x8xf32> to vector<4096x1xf32>
    %slice3A_68 = vector.extract_strided_slice %dot_general3A_61 {offsets = [0, 2], sizes = [4096, 1], strides = [1, 1]} : vector<4096x8xf32> to vector<4096x1xf32>
    %mul3A_69 = arith.mulf %get3A_64, %slice3A_68 : vector<4096x1xf32>
    %add3A = arith.addf %slice3A, %mul3A_69 : vector<4096x1xf32>
    %slice3A_70 = vector.extract_strided_slice %dot_general3A_61 {offsets = [0, 4], sizes = [4096, 1], strides = [1, 1]} : vector<4096x8xf32> to vector<4096x1xf32>
    %mul3A_71 = arith.mulf %get3A_67, %slice3A_70 : vector<4096x1xf32>
    %add3A_72 = arith.addf %add3A, %mul3A_71 : vector<4096x1xf32>
    %slice3A_73 = vector.extract_strided_slice %dot_general3A_61 {offsets = [0, 1], sizes = [4096, 1], strides = [1, 1]} : vector<4096x8xf32> to vector<4096x1xf32>
    %slice3A_74 = vector.extract_strided_slice %dot_general3A_61 {offsets = [0, 3], sizes = [4096, 1], strides = [1, 1]} : vector<4096x8xf32> to vector<4096x1xf32>
    %mul3A_75 = arith.mulf %get3A_64, %slice3A_74 : vector<4096x1xf32>
    %add3A_76 = arith.addf %slice3A_73, %mul3A_75 : vector<4096x1xf32>
    %slice3A_77 = vector.extract_strided_slice %dot_general3A_61 {offsets = [0, 5], sizes = [4096, 1], strides = [1, 1]} : vector<4096x8xf32> to vector<4096x1xf32>
    %mul3A_78 = arith.mulf %get3A_67, %slice3A_77 : vector<4096x1xf32>
    %add3A_79 = arith.addf %add3A_76, %mul3A_78 : vector<4096x1xf32>
    %concatenate3A_80 = tpu.concatenate %add3A_72, %add3A_79 in 1 : vector<4096x1xf32>, vector<4096x1xf32> -> vector<4096x2xf32>
    %swap3A = arith.constant 0 : index
    %swap3A_81 = arith.constant 0 : index
    %swap3A_82 = vector.load %arg6[%swap3A, %swap3A_81] : memref<4096x2xf32, #tpu.memory_space<vmem>>, vector<4096x2xf32>
    tpu.vector_store %arg6[%swap3A, %swap3A_81], %concatenate3A_80 {strides = array<i32>} : memref<4096x2xf32, #tpu.memory_space<vmem>>, vector<4096x2xf32>,
    return
  }
  func.func @transform_0(%arg0: i32) -> (i32, i32) {
    %c0_i32 = arith.constant 0 : i32
    %c0_i32_0 = arith.constant 0 : i32
    return %c0_i32, %arg0 : i32, i32
  }
  func.func @transform_1(%arg0: i32) -> (i32, i32) {
    %c0_i32 = arith.constant 0 : i32
    %c0_i32_0 = arith.constant 0 : i32
    return %arg0, %c0_i32 : i32, i32
  }
  func.func @transform_2(%arg0: i32) -> (i32, i32) {
    %c0_i32 = arith.constant 0 : i32
    %c0_i32_0 = arith.constant 0 : i32
    %c0_i32_1 = arith.constant 0 : i32
    return %c0_i32, %c0_i32_0 : i32, i32
  }
  func.func @transform_3(%arg0: i32) -> (i32, i32) {
    %c0_i32 = arith.constant 0 : i32
    %c0_i32_0 = arith.constant 0 : i32
    %c0_i32_1 = arith.constant 0 : i32
    return %c0_i32, %c0_i32_0 : i32, i32
  }
  func.func @transform_4(%arg0: i32) -> (i32, i32) {
    %c0_i32 = arith.constant 0 : i32
    %c0_i32_0 = arith.constant 0 : i32
    %c0_i32_1 = arith.constant 0 : i32
    return %c0_i32, %c0_i32_0 : i32, i32
  }
  func.func @transform_5(%arg0: i32) -> (i32, i32) {
    %c0_i32 = arith.constant 0 : i32
    %c0_i32_0 = arith.constant 0 : i32
    return %arg0, %c0_i32 : i32, i32
  }
}

</mosaic_0001>

<sc_bundles>
// kernel: kernel.11.cloned.1.call-start
scs
__scs_entry_jumppad:
0x0: {  	(pc) =	sbr.rel $0x88, $3  }
0x1: {  	(tag) =	ssettag $0x0;
	lr =	simm.s32 $0x1  }
0x2: {  	[smem:$0x3F96] =	sst lr;
	_ =	strace $0xD0000000  }
0x3: {  	_ = 	snop  }
0x4: {  	_ = 	snop  }
0x5: {  	_ = 	snop  }
0x6: {  	_ = 	snop  }
0x7: {  	_ = 	snop  }
__scs_overlays_trampoline_lowered:
0x8: {  	[smem:$0x3FA5] =	sst s0  }
0x9: {  	[smem:$0x3FA6] =	sst s1  }
0xa: {  	[smem:$0x3FA7] =	sst s2  }
0xb: {  	[smem:$0x3FA8] =	sst s3  }
0xc: {  	[smem:$0x3FA9] =	sst s4  }
0xd: {  	[smem:$0x3FAA] =	sst s5  }
0xe: {  	[smem:$0x3FAB] =	sst s6  }
0xf: {  	[smem:$0x3FAC] =	sst s7  }
0x10: {  	[smem:$0x3FAD] =	sst s8  }
0x11: {  	[smem:$0x3FAE] =	sst s9;
	s0 =	simm.s32 @!p0 $0x0  }
0x12: {  	s1 =	sld [smem:$0x3F94];
	s0 =	simm.s32 @p0 $0x1  }
0x13: {  	[smem:$0x3FAF] =	sst s0;
	s0 =	simm.s32 @!p1 $0x0  }
0x14: {  	s2 =	sld [smem:$0x3F93];
	s0 =	simm.s32 @p1 $0x1  }
0x15: {  	[smem:$0x3FB0] =	sst s0;
	s0 =	simm.s32 @!p2 $0x0  }
0x16: {  	s3 =	sld [smem:$0x3FDB];
	s0 =	simm.s32 @p2 $0x1  }
0x17: {  	s4 =	simm.s32 $0x1BF5;
	[smem:$0x3FB2] =	sst s0  }
0x18: {  	s0 =	sld [smem:$0x3F95];
	_ =	swait.ge [sflag:s4], $0x0  }
0x19: {  	s7 =	sld [smem:$0x3F96]  }
0x1a: {  	s8 =	sadd.s32 $0xFFFFE003, lr  }
0x1b: {  	s9 =	sadd.s32 $0xFFFFFEF7, lr;
	s5 =	simm.s32 $0xFFFFFFFF;
	p2 =	slt.u32 s8, $0xFFFFF086  }
0x1c: {  	p1 =	slt.u32 s9, $0xF7A;
	s5 =	simm.s32 @!p2 $0x0  }
0x1d: {  	s5 =	simm.s32 @p1 $0x1;
	p0 =	seq.s32 s7, s2  }
0x1e: {  	s7 =	smul.u32 @!p0 $0xF7A, s2;
	p2 =	seq.s32 @!p0 s5, $0x0  }
0x1f: {  	s9 =	smul.u32 $0xF7A, s1;
	s8 =	simm.s32 @!p0 $0x1BF5;
	p2 =	por !p2, p0  }
0x20: {  	[sflag:s8] =	ssyncset.s32 @!p0 $0xFFFFF086;
	s6 =	sadd.s32 @!p0 s3, s7;
	s7 =	simm.s32 @!p0 $0x108  }
0x21: {  	s3 =	sadd.s32 s3, s9;
	s6 =	sadd.s32 @!p0 $0x88, s6;
	s7 =	simm.s32 @p2 $0x1082  }
0x22: {  	[simem:s7], [sflag:s8] =	dma.local @!p0 [hbm:s6], $0xF7A  }
0x23: {  	s9 =	sor.u32 $0xD0000000, s2;
	s6 =	simm.s32 $0x108;
	_ =	swait.ge @!p0 [sflag:s8], $0x0  }
0x24: {  	s3 =	sadd.s32 $0x88, s3;
	s6 =	simm.s32 @!p1 $0x1082;
	[sflag:s4] =	ssyncset.s32 $0xFFFFF086  }
0x25: {  	[simem:s6], [sflag:s4] =	dma.local [hbm:s3], $0xF7A  }
0x26: {  	[smem:$0x3F96] =	sst s1;
	(tag) =	ssettag s2;
	_ =	strace s9  }
0x27: {  	s1 =	sld [smem:$0x3FA6]  }
0x28: {  	s2 =	sld [smem:$0x3FA7]  }
0x29: {  	s4 =	sld [smem:$0x3FA9]  }
0x2a: {  	p0 =	seq.s32 s5, $0x0;
	s5 =	sld [smem:$0x3FAA]  }
0x2b: {  	s6 =	sld [smem:$0x3FAB]  }
0x2c: {  	s7 =	sld [smem:$0x3FAC]  }
0x2d: {  	s3 =	simm.s32 $0x108;
	s8 =	sld [smem:$0x3FAD]  }
0x2e: {  	s3 =	simm.s32 @!p0 $0x1082;
	s9 =	sld [smem:$0x3FAE]  }
0x2f: {  	lr =	sadd.s32 s0, s3;
	s0 =	sld [smem:$0x3FA5]  }
0x30: {  	s3 =	sld [smem:$0x3FA8]  }
0x31: {  	[smem:$0x3FB1] =	sst s10  }
0x32: {  	s10 =	sld [smem:$0x3FAF];
	_ =	sdelay $0x3  }
0x33: {  	p0 =	seq.s32 s10, $0x1;
	s10 =	sld [smem:$0x3FB1];
	_ =	sdelay $0x3  }
0x34: {  	[smem:$0x3FB1] =	sst s10  }
0x35: {  	s10 =	sld [smem:$0x3FB0];
	_ =	sdelay $0x3  }
0x36: {  	p1 =	seq.s32 s10, $0x1;
	s10 =	sld [smem:$0x3FB1];
	_ =	sdelay $0x3  }
0x37: {  	[smem:$0x3FB1] =	sst s10  }
0x38: {  	s10 =	sld [smem:$0x3FB2]  }
0x39: {  	_ = 	snop;
	(pc) =	sbr.ind lr, $3  }
0x3a: {  	_ = 	snop  }
0x3b: {  	_ = 	snop  }
0x3c: {  	p2 =	seq.s32 s10, $0x1;
	s10 =	sld [smem:$0x3FB1]  }
0x3d: {  	_ =	shalt  }
0x3e: {  	_ =	shalt  }
0x3f: {  	_ =	shalt  }
0x40: {  	_ =	shalt  }
0x41: {  	_ =	shalt  }
0x42: {  	_ =	shalt  }
0x43: {  	_ =	shalt  }
0x44: {  	_ =	shalt  }
0x45: {  	_ =	shalt  }
0x46: {  	_ =	shalt  }
0x47: {  	_ =	shalt  }
0x48: {  	_ =	shalt  }
0x49: {  	_ =	shalt  }
0x4a: {  	_ =	shalt  }
0x4b: {  	_ =	shalt  }
0x4c: {  	_ =	shalt  }
0x4d: {  	_ =	shalt  }
0x4e: {  	_ =	shalt  }
0x4f: {  	_ =	shalt  }
0x50: {  	_ =	shalt  }
0x51: {  	_ =	shalt  }
0x52: {  	_ =	shalt  }
0x53: {  	_ =	shalt  }
0x54: {  	_ =	shalt  }
0x55: {  	_ =	shalt  }
0x56: {  	_ =	shalt  }
0x57: {  	_ =	shalt  }
0x58: {  	_ =	shalt  }
0x59: {  	_ =	shalt  }
0x5a: {  	_ =	shalt  }
0x5b: {  	_ =	shalt  }
0x5c: {  	_ =	shalt  }
0x5d: {  	_ =	shalt  }
0x5e: {  	_ =	shalt  }
0x5f: {  	_ =	shalt  }
0x60: {  	_ =	shalt  }
0x61: {  	_ =	shalt  }
0x62: {  	_ =	shalt  }
0x63: {  	_ =	shalt  }
0x64: {  	_ =	shalt  }
0x65: {  	_ =	shalt  }
0x66: {  	_ =	shalt  }
0x67: {  	_ =	shalt  }
0x68: {  	_ =	shalt  }
0x69: {  	_ =	shalt  }
0x6a: {  	_ =	shalt  }
0x6b: {  	_ =	shalt  }
0x6c: {  	_ =	shalt  }
0x6d: {  	_ =	shalt  }
0x6e: {  	_ =	shalt  }
0x6f: {  	_ =	shalt  }
0x70: {  	_ =	shalt  }
0x71: {  	_ =	shalt  }
0x72: {  	_ =	shalt  }
0x73: {  	_ =	shalt  }
0x74: {  	_ =	shalt  }
0x75: {  	_ =	shalt  }
0x76: {  	_ =	shalt  }
0x77: {  	_ =	shalt  }
0x78: {  	_ =	shalt  }
0x79: {  	_ =	shalt  }
0x7a: {  	_ =	shalt  }
0x7b: {  	_ =	shalt  }
0x7c: {  	_ =	shalt  }
0x7d: {  	_ =	shalt  }
0x7e: {  	_ =	shalt  }
0x7f: {  	_ =	shalt  }
0x80: {  	_ =	shalt  }
0x81: {  	_ =	shalt  }
0x82: {  	_ =	shalt  }
0x83: {  	_ =	shalt  }
0x84: {  	_ =	shalt  }
0x85: {  	_ =	shalt  }
0x86: {  	_ =	shalt  }
0x87: {  	_ =	shalt  }
.Lfunc_end0:
.L_simem_size_0:
called_computation.1_lowered:
.L_overlay_start_0:
0x88: {  	s2 =	sld [smem:$0x3FD9]  }
0x89: {  	s3 =	sld [smem:$0x3FFE];
	_ =	sdelay $0x1  }
0x8a: {  	s1 =	srdreg.scid  }
0x8b: {  	s0 =	sand.u32 $0x1, s1  }
0x8c: {  	s17 =	sshll.u32 s0, $0xA;
	s2 =	sadd.s32 s3, s2  }
0x8d: {  	s2 =	sadd.s32 s2, s17  }
0x8e: {  	[smem:$0x3FBD] =	sst s2  }
0x8f: {  	_ = 	snop  }
0x90: {  	s2 =	sld [smem:$0x3FD0];
	(tm) =	ssettm $0x1  }
0x91: {  	s18 =	sld [smem:$0x3FFB];
	_ =	sdelay $0x3  }
0x92: {  	_ =	strace s18  }
0x93: {  	s3 =	sld [smem:$0x3FFC];
	_ =	sdelay $0x3  }
0x94: {  	_ =	strace s3  }
0x95: {  	s3 =	sld [smem:$0x3FFD];
	_ =	sdelay $0x3  }
0x96: {  	_ =	strace s3  }
0x97: {  	_ =	strace $0x8FFFFFFF  }
0x98: {  	s19 =	sld [smem:$0x3FDB];
	_ =	sdelay $0x1  }
0x99: {  	s4 =	simm.s32 $_scs_section_size  }
0x9a: {  	s5 =	simm.s32 $_size__tile_overlayer_lowered;
	s6 =	simm.s32 $_tile_overlayer_lowered  }
0x9b: {  	s22 =	simm.s32 $0x1BFF;
	s21 =	sshll.u32 s6, $0x1;
	s3 =	sadd.s32 s4, s19  }
0x9c: {  	s7 =	simm.s32 $0x0;
	s20 =	sshll.u32 s5, $0x1;
	s5 =	sadd.s32 s21, s3  }
0x9d: {  	[timem:s7], [sflag:s22] =	dma.local [hbm:s5], s20  }
0x9e: {  	_ =	swait.ge [sflag:s22], s20  }
0x9f: {  	s4 =	ssub.s32 $0x0, s20;
	[sflag:s22] =	ssyncset.done $0x0  }
0xa0: {  	[sflag:s22] =	ssyncadd.s32 s4;
	_ =	sdelay $0x1  }
0xa1: {  	s23 =	simm.s32 $0x1B8B  }
0xa2: {  	_ =	swait.ge [sflag:s23], $0x1  }
0xa3: {  	[sflag:s23] =	ssyncset.done $0x0  }
0xa4: {  	s25 =	simm.s32 $0x1B8E;
	s24 =	sld [smem:$0x3FFE];
	[sflag:s23] =	ssyncadd.s32 $0xFFFFFFFF  }
0xa5: {  	s26 =	simm.s32 $execute0_lowered;
	[smem:$0x3FD2] =	sst s25  }
0xa6: {  	s5 =	sshll.u32 s26, $0x1;
	_ =	strace $0x80000046;
	[dreg:$0x1] =	wrdreg $0xFFFFFFFF  }
0xa7: {  	s28 =	simm.s32 $_size_execute0_lowered;
	s3 =	sadd.s32 s3, s5;
	[dreg:$0x0] =	wrdreg $0x0  }
0xa8: {  	s5 =	sshll.u32 s28, $0x1;
	[dreg:$0x2] =	wrdreg s3  }
0xa9: {  	[dreg:$0x3] =	wrdreg s5  }
0xaa: {  	[dreg:$0x4] =	wrdreg $0xC0  }
0xab: {  	_ =	task [dreg:s7], $0x5FFFF  }
0xac: {  	[dreg:$0x1] =	wrdreg $0xFFFFFFFF  }
0xad: {  	[dreg:$0x0] =	wrdreg $0x60  }
0xae: {  	[dreg:$0x2] =	wrdreg s24  }
0xaf: {  	[dreg:$0x3] =	wrdreg s2  }
0xb0: {  	[dreg:$0x4] =	wrdreg $0xA  }
0xb1: {  	_ =	task.clear_ibuf [dreg:s7], $0x5FFFF;
	_ =	strace $0x90000046  }
0xb2: {  	s29 =	simm.s32 $0xA;
	_ =	strace $0x80000048  }
0xb3: {  	_ =	swait.ge [sflag:s29], $0x1  }
0xb4: {  	[sflag:s29] =	ssyncadd.s32 $0xFFFFFFFF  }
0xb5: {  	_ =	strace $0x90000048  }
0xb6: {  	_ =	sfence  }
0xb7: {  	s30 =	sld [smem:$0x0];
	_ =	sdelay $0x2  }
0xb8: {  	s31 =	sshll.u32 s1, $0xD;
	s1 =	sshrl.u32 s1, $0x2  }
0xb9: {  	s3 =	sand.u32 $0x4000, s31;
	s1 =	sadd.s32 s1, s30  }
0xba: {  	s0 =	sor.u32 s3, s0;
	s1 =	sshll.u32 s1, $0x11  }
0xbb: {  	s0 =	sor.u32 s1, s0  }
0xbc: {  	s0 =	sadd.s32 $0x8F2B, s0  }
0xbd: {  	[sflag:s0] =	ssyncadd.remote.s32 $0x1  }
0xbe: {  	_ =	sfence.sel $0xFFFF  }
0xbf: {  	[dreg:$0x0] =	wrdreg $0xFFFFFFFF;
	(pc) =	sbr.abs _section_cstart, $3  }
0xc0: {  	[dreg:$0x1] =	wrdreg $0xFFFFFFFF  }
0xc1: {  	_ =	task.clear_ibuf [dreg:s7], $0x2FFFF;
	_ =	strace $0x9FFFFFFF  }
0xc2: {  	(tm) =	ssettm $0x7FFFFFFF  }
0xc3: {  	_ =	shalt  }
tec
execute0_lowered:
.L_overlay_start_1:
0x0: {  	(tag) =	ssettag $0x1  }
0x1: {  	s0 =	rddreg [dreg:$0x0];
	s2 =	simm.s32 $0x0;
	s3 =	srdreg.scid  }
0x2: {  	s1 =	stileid.u32;
	s14 =	simm.s32 $0x1;
	s15 =	simm.s32 $0x100  }
0x3: {  	s16 =	simm.s32 $0x200;
	s17 =	simm.s32 $0x300;
	s18 =	simm.s32 $0x400  }
0x4: {  	s19 =	simm.s32 $0x3400;
	s20 =	simm.s32 $0x3500;
	s21 =	simm.s32 $0x3600  }
0x5: {  	s22 =	simm.s32 $0x3700;
	s23 =	simm.s32 $0x3800;
	s24 =	simm.s32 $0x0  }
0x6: {  	[smem:$0x7FF] =	sst s2;
	s4 =	sand.u32 $0x1, s3;
	s7 =	sadd.s32 $0x1400, s0  }
0x7: {  	s8 =	sshll.u32 s1, $0x6;
	s5 =	ssub.s32 $0x2, s4;
	s4 =	sshll.u32 s4, $0x5  }
0x8: {  	s0 =	sadd.s32 $0x3400, s0;
	s6 =	sshrl.u32 s5, $0x1;
	s8 =	sor.u32 s4, s8  }
0x9: {  	_ =	strace $0x80000047;
	s13 =	ssub.s32 s5, s6;
	s4 =	sadd.s32 s7, s8  }
0xa: {  	s9 =	sor.u32 $0x400, s8;
	s10 =	sor.u32 $0x800, s8;
	s11 =	sor.u32 $0xC00, s8  }
0xb: {  	s8 =	sadd.s32 s0, s8;
	s5 =	sadd.s32 s7, s9;
	s6 =	sadd.s32 s7, s10  }
0xc: {  	s7 =	sadd.s32 s7, s11;
	s9 =	sadd.s32 s0, s9;
	s10 =	sadd.s32 s0, s10  }
0xd: {  	s11 =	sadd.s32 s0, s11;
	s12 =	sadd.s32 $0x1000, s8;
	s13 =	smax.u32 s13, $0x1  }
.LBB2_1:
0xe: {  	[tilespmem:s2], [sflag:$0x1] =	stream.linear.gather [hbm4b:s4+s2], $0x100, $0x38;
	[tilespmem:$0x3900] =	vst v63  }
0xf: {  	_ =	swait.ge [sflag:s14], $0x100  }
0x10: {  	[sflag:s14] =	ssyncset.done $0x0  }
0x11: {  	[sflag:s14] =	ssyncadd.s32 $0xFFFFFF00  }
0x12: {  	[tilespmem:s15], [sflag:$0x1] =	stream.linear.gather [hbm4b:s5+s2], $0x100, $0x38;
	[tilespmem:$0x3900] =	vst v63  }
0x13: {  	_ =	swait.ge [sflag:s14], $0x100  }
0x14: {  	[sflag:s14] =	ssyncset.done $0x0  }
0x15: {  	[sflag:s14] =	ssyncadd.s32 $0xFFFFFF00  }
0x16: {  	[tilespmem:s16], [sflag:$0x1] =	stream.linear.gather [hbm4b:s6+s2], $0x100, $0x38;
	[tilespmem:$0x3900] =	vst v63  }
0x17: {  	_ =	swait.ge [sflag:s14], $0x100  }
0x18: {  	[sflag:s14] =	ssyncset.done $0x0  }
0x19: {  	[sflag:s14] =	ssyncadd.s32 $0xFFFFFF00  }
0x1a: {  	[tilespmem:s17], [sflag:$0x1] =	stream.linear.gather [hbm4b:s7+s2], $0x100, $0x38;
	[tilespmem:$0x3900] =	vst v63  }
0x1b: {  	_ =	swait.ge [sflag:s14], $0x100  }
0x1c: {  	[sflag:s14] =	ssyncset.done $0x0  }
0x1d: {  	[sflag:s14] =	ssyncadd.s32 $0xFFFFFF00  }
0x1e: {  	s0 =	rddreg [dreg:$0x1]  }
0x1f: {  	[tilespmem:s18], [sflag:$0x1] =	stream.linear.gather [hbm4b:s0+s2], $0x3000, $0x38;
	[tilespmem:$0x3900] =	vst v63  }
0x20: {  	_ =	swait.ge [sflag:s14], $0x3000  }
0x21: {  	[sflag:s14] =	ssyncset.done $0x0  }
0x22: {  	s25 =	simm.s32 $0x0;
	[sflag:s14] =	ssyncadd.s32 $0xFFFFD000  }
.LBB2_2:
0x23: {  	s26 =	sshll.u32 s25, $0x4  }
0x24: {  	v2 =	vld [tilespmem:s26+$0x0]  }
0x25: {  	v3 =	vld [tilespmem:s26+$0x100]  }
0x26: {  	v0 =	vld [tilespmem:s26+$0x200]  }
0x27: {  	s0 =	simm.s32 $0x0;
	s28 =	simm.s32 $0x400;
	v1 =	vld [tilespmem:s26+$0x300]  }
0x28: {  	v4 =	vld [tilespmem:s28+$0x0];
	s0 =	sand.u32 $0xFE0, s0  }
0x29: {  	v5 =	vld [tilespmem:s0+$0x1400]  }
0x2a: {  	v6 =	vld [tilespmem:s28+$0x1010]  }
0x2b: {  	v7 =	vld [tilespmem:s28+$0x10];
	_ =	sdelay $0x1  }
0x2c: {  	v2 =	vmul.f32 v2, v2;
	v3 =	vmul.f32 v3, v3  }
0x2d: {  	v4 =	vmul.f32 v4, v0;
	v5 =	vmul.f32 v5, v1  }
0x2e: {  	v8 =	vld [tilespmem:s0+$0x2400];
	v2 =	vadd.f32 v3, v2  }
0x2f: {  	v3 =	vadd.f32 v5, v4;
	v4 =	vmul.f32 v6, v1;
	v5 =	vmul.f32 v7, v0  }
0x30: {  	v6 =	vld [tilespmem:s28+$0x2010]  }
0x31: {  	v3 =	vadd.f32 v3, v2;
	v4 =	vadd.f32 v4, v5;
	_ =	sdelay $0x1  }
0x32: {  	v12 =	vadd.f32 v3, v8;
	v3 =	vadd.f32 v4, v2  }
0x33: {  	v14 =	vimm.f32 $+Inf;
	v11 =	vimm.s32 $0x0;
	v15 =	vimm.s32 $0x0  }
0x34: {  	v8 =	vimm.s32 $0x0;
	vm0 =	vlt.f32 v12, v14;
	v3 =	vadd.f32 v3, v6  }
0x35: {  	s0 =	simm.s32 $0x0;
	v16 =	vmax.f32 v14, v12;
	v13 =	vmin.f32 v14, v12;
	v6 =	vimm.f32 $+Inf  }
0x36: {  	v7 =	vsel vm0, s0, v8;
	v9 =	vmin.f32 v14, v16;
	v10 =	vmin.f32 v14, v16  }
0x37: {  	s29 =	simm.s32 $0x3;
	v4 =	vnsel vm0, s0, v8;
	vm3 =	vmmov vm0;
	vm2 =	vmmov vm0  }
0x38: {  	s30 =	simm.s32 $0x20;
	s31 =	simm.s32 $0x420;
	s28 =	simm.s32 $0x1;
	vm1 =	vmmov vm0;
	v5 =	vsel vm0, v4, v8;
	v4 =	vimm.s32 $0x0  }
.LBB2_3:
0x39: {  	s3 =	sand.u32 $0xFE0, s30  }
0x3a: {  	v17 =	vld [tilespmem:s31+$0x0];
	p0 =	sne.s32 s29, $0xF9;
	v16 =	vmin.f32 v14, v16;
	v12 =	vmax.f32 v14, v12;
	v14 =	vnsel vm0, s0, v8;
	s1 =	smov.u32 s29;
	s29 =	sadd.s32 $0x2, s29  }
0x3b: {  	v18 =	vld [tilespmem:s3+$0x1400];
	v11 =	vsel vm3, v14, v11;
	vm3 =	vlt.f32 v3, v16;
	v14 =	vmax.f32 v16, v3  }
0x3c: {  	v6 =	vmin.f32 v6, v12;
	v12 =	vnsel vm2, s0, v15;
	v15 =	vnsel vm1, s0, v4;
	v19 =	vld [tilespmem:s31+$0x1010]  }
0x3d: {  	v21 =	vmin.f32 v13, v3;
	vm2 =	vlt.f32 v3, v6;
	v6 =	vmin.f32 v6, v14;
	v20 =	vld [tilespmem:s31+$0x10]  }
0x3e: {  	vm4 =	vlt.f32 v3, v10;
	v8 =	vsel vm0, v15, v8;
	vm0 =	vlt.f32 v3, v9  }
0x3f: {  	vm5 =	vlt.f32 v3, v13;
	v14 =	vmax.f32 v9, v3;
	v15 =	vmax.f32 v10, v3  }
0x40: {  	v3 =	vmax.f32 v13, v3;
	v17 =	vmul.f32 v17, v0;
	v18 =	vmul.f32 v18, v1  }
0x41: {  	v22 =	vnsel vm5, s28, v7;
	v23 =	vnsel vm3, s28, v8;
	v13 =	vld [tilespmem:s3+$0x2400];
	v19 =	vmul.f32 v19, v1  }
0x42: {  	v11 =	vsel vm2, v23, v11;
	v17 =	vadd.f32 v18, v17;
	v18 =	vmul.f32 v20, v0  }
0x43: {  	v12 =	vsel vm1, v12, v4;
	v4 =	vnsel vm0, s28, v5;
	v23 =	vsel vm5, s28, v7;
	v20 =	vld [tilespmem:s31+$0x2010]  }
0x44: {  	v7 =	vadd.f32 v17, v2;
	v17 =	vadd.f32 v19, v18;
	v18 =	vmin.f32 v10, v14  }
0x45: {  	v9 =	vmin.f32 v9, v3;
	v3 =	vnsel vm4, s28, v12;
	v4 =	vsel vm4, v4, v12;
	s28 =	smov.u32 s1  }
0x46: {  	v8 =	vsel vm3, v3, v8;
	v12 =	vadd.f32 v7, v13;
	v7 =	vadd.f32 v17, v2  }
0x47: {  	v14 =	vmin.f32 v16, v15;
	v15 =	vsel vm0, v22, v5  }
.Ltmp0:
0x48: {  	s0 =	sadd.s32 $0xFFFFFFFF, s28;
	vm1 =	vlt.f32 v12, v21;
	vm2 =	vlt.f32 v12, v9;
	v3 =	vadd.f32 v7, v20;
	(pc) =	sbr.rel @p0 .LBB2_3-.Ltmp0, $4  }
0x49: {  	v5 =	vmax.f32 v21, v12;
	v10 =	vmax.f32 v9, v12;
	v7 =	vsel vm1, s0, v23  }
0x4a: {  	vm3 =	vlt.f32 v12, v6;
	v9 =	vmin.f32 v9, v5;
	v10 =	vmin.f32 v18, v10  }
0x4b: {  	vm0 =	vlt.f32 v12, v14;
	v16 =	vmax.f32 v18, v12;
	v5 =	vnsel vm1, s0, v23  }
0x4c: {  	s30 =	sadd.s32 $0x20, s30;
	s31 =	sadd.s32 $0x20, s31;
	v13 =	vmin.f32 v21, v12;
	vm1 =	vlt.f32 v12, v18;
	v5 =	vsel vm2, v5, v15  }
0x4d: {  	v0 =	vnsel vm0, s0, v8  }
0x4e: {  	v1 =	vmin.f32 v14, v16;
	v2 =	vmax.f32 v14, v12;
	v57 =	vnsel vm2, s0, v15  }
0x4f: {  	v58 =	vnsel vm1, s0, v4;
	vm14 =	vlt.f32 v3, v9;
	vm4 =	vlt.f32 v3, v13  }
0x50: {  	vm5 =	vlt.f32 v3, v10;
	s25 =	sadd.s32 $0x1, s25;
	v0 =	vsel vm3, v0, v11;
	vm13 =	vlt.f32 v3, v1  }
0x51: {  	v56 =	vmin.f32 v6, v2;
	v59 =	vnsel vm4, s28, v7;
	v60 =	vsel vm4, s28, v7;
	p0 =	sne.s32 s25, $0x10  }
.Ltmp1:
0x52: {  	v2 =	vsel vm1, v57, v4;
	v61 =	vnsel vm14, s28, v5;
	v62 =	vsel vm14, v59, v5;
	[tilespmem:s26+$0x3400] =	vst v60;
	(pc) =	sbr.rel @p0 .LBB2_2-.Ltmp1, $4  }
0x53: {  	v6 =	vsel vm0, v58, v8;
	v4 =	vsel vm5, v61, v2;
	v2 =	vnsel vm5, s28, v2;
	[tilespmem:s26+$0x3500] =	vst v62  }
0x54: {  	vm15 =	vlt.f32 v3, v56;
	v63 =	vnsel vm13, s28, v6;
	v2 =	vsel vm13, v2, v6;
	[tilespmem:s26+$0x3600] =	vst v4  }
0x55: {  	v0 =	vsel vm15, v63, v0;
	[tilespmem:s26+$0x3700] =	vst v2  }
0x56: {  	[tilespmem:s26+$0x3800] =	vst v0  }
0x57: {  	[hbm4b:s8+s2] =	stream.linear.scatter [tilespmem:s19], [sflag:$0x1], $0x100, $0x38;
	[tilespmem:$0x3900] =	vst v63  }
0x58: {  	_ =	swait.ge [sflag:s14], $0x100  }
0x59: {  	[sflag:s14] =	ssyncset.done $0x0  }
0x5a: {  	[sflag:s14] =	ssyncadd.s32 $0xFFFFFF00  }
0x5b: {  	[hbm4b:s9+s2] =	stream.linear.scatter [tilespmem:s20], [sflag:$0x1], $0x100, $0x38;
	[tilespmem:$0x3900] =	vst v63  }
0x5c: {  	_ =	swait.ge [sflag:s14], $0x100  }
0x5d: {  	[sflag:s14] =	ssyncset.done $0x0  }
0x5e: {  	[sflag:s14] =	ssyncadd.s32 $0xFFFFFF00  }
0x5f: {  	[hbm4b:s10+s2] =	stream.linear.scatter [tilespmem:s21], [sflag:$0x1], $0x100, $0x38;
	[tilespmem:$0x3900] =	vst v63  }
0x60: {  	_ =	swait.ge [sflag:s14], $0x100  }
0x61: {  	[sflag:s14] =	ssyncset.done $0x0  }
0x62: {  	[sflag:s14] =	ssyncadd.s32 $0xFFFFFF00  }
0x63: {  	[hbm4b:s11+s2] =	stream.linear.scatter [tilespmem:s22], [sflag:$0x1], $0x100, $0x38;
	[tilespmem:$0x3900] =	vst v63  }
0x64: {  	s24 =	sadd.s32 $0x1, s24;
	_ =	swait.ge [sflag:s14], $0x100  }
0x65: {  	p0 =	sne.s32 s24, s13;
	[sflag:s14] =	ssyncset.done $0x0  }
.Ltmp2:
0x66: {  	[sflag:s14] =	ssyncadd.s32 $0xFFFFFF00;
	(pc) =	sbr.rel @p0 .LBB2_1-.Ltmp2, $4  }
0x67: {  	[hbm4b:s12+s2] =	stream.linear.scatter [tilespmem:s23], [sflag:$0x1], $0x100, $0x38;
	[tilespmem:$0x3900] =	vst v63  }
0x68: {  	_ =	swait.ge [sflag:s14], $0x100  }
0x69: {  	[sflag:s14] =	ssyncset.done $0x0  }
0x6a: {  	[sflag:s14] =	ssyncadd.s32 $0xFFFFFF00  }
0x6b: {  	_ =	sfence.sel $0x180000  }
0x6c: {  	[bflag:$0x0] =	sbarrier.arrive $0xFFFF  }
0x6d: {  	_ =	strace $0x90000047  }
0x6e: {  	s0 =	stileid.u32;
	[bflag:$0x2] =	sbarrier.arrive $0xFFFF  }
0x6f: {  	p0 =	sne.s32 s0, $0x0;
	s0 =	rddreg [dreg:$0x2]  }
0x70: {  	s0 =	sadd.s32 @!p0 $0x100000, s0  }
0x71: {  	[sflag:s0] =	ssyncadd.tile.s32 @!p0 $0x1;
	_ =	shalt  }
.Lfunc_end2:
_tile_overlayer_lowered:
.L_overlay_start_2:
0x72: {  	(tag) =	ssettag $0x2  }
0x73: {  	s0 =	rddreg [dreg:$0x0];
	s2 =	stileid.u32  }
0x74: {  	s1 =	rddreg [dreg:$0x1];
	p0 =	sne.s32 s2, $0x0  }
0x75: {  	s3 =	rddreg [dreg:$0x2];
	[bflag:$0x3] =	sbarrier.arrive $0xFFFF;
	s2 =	simm.s32 @!p0 $0x1C01  }
0x76: {  	[timem:s3], [sflag:s2] =	dma.local @!p0 [hbm:s0], s1  }
0x77: {  	s0 =	simm.s32 @!p0 $0x1  }
0x78: {  	_ =	swait.ge @!p0 [sflag:s0], s1  }
0x79: {  	s1 =	ssub.s32 @!p0 $0x0, s1;
	[sflag:s0] =	ssyncset.done @!p0 $0x0  }
0x7a: {  	[sflag:s0] =	ssyncadd.s32 @!p0 s1  }
0x7b: {  	[bflag:$0x3] =	sbarrier.arrive $0xFFFF  }
0x7c: {  	_ =	shalt  }

// kernel: kernel.8.cloned.1.call-start
scs
__scs_entry_jumppad:
0x0: {  	(pc) =	sbr.rel $0x88, $3  }
0x1: {  	(tag) =	ssettag $0x0;
	lr =	simm.s32 $0x1  }
0x2: {  	[smem:$0x3F96] =	sst lr;
	_ =	strace $0xD0000000  }
0x3: {  	_ = 	snop  }
0x4: {  	_ = 	snop  }
0x5: {  	_ = 	snop  }
0x6: {  	_ = 	snop  }
0x7: {  	_ = 	snop  }
__scs_overlays_trampoline_lowered:
0x8: {  	[smem:$0x3FA5] =	sst s0  }
0x9: {  	[smem:$0x3FA6] =	sst s1  }
0xa: {  	[smem:$0x3FA7] =	sst s2  }
0xb: {  	[smem:$0x3FA8] =	sst s3  }
0xc: {  	[smem:$0x3FA9] =	sst s4  }
0xd: {  	[smem:$0x3FAA] =	sst s5  }
0xe: {  	[smem:$0x3FAB] =	sst s6  }
0xf: {  	[smem:$0x3FAC] =	sst s7  }
0x10: {  	[smem:$0x3FAD] =	sst s8  }
0x11: {  	[smem:$0x3FAE] =	sst s9;
	s0 =	simm.s32 @!p0 $0x0  }
0x12: {  	s1 =	sld [smem:$0x3F94];
	s0 =	simm.s32 @p0 $0x1  }
0x13: {  	[smem:$0x3FAF] =	sst s0;
	s0 =	simm.s32 @!p1 $0x0  }
0x14: {  	s2 =	sld [smem:$0x3F93];
	s0 =	simm.s32 @p1 $0x1  }
0x15: {  	[smem:$0x3FB0] =	sst s0;
	s0 =	simm.s32 @!p2 $0x0  }
0x16: {  	s3 =	sld [smem:$0x3FDB];
	s0 =	simm.s32 @p2 $0x1  }
0x17: {  	s4 =	simm.s32 $0x1BF5;
	[smem:$0x3FB2] =	sst s0  }
0x18: {  	s0 =	sld [smem:$0x3F95];
	_ =	swait.ge [sflag:s4], $0x0  }
0x19: {  	s7 =	sld [smem:$0x3F96]  }
0x1a: {  	s8 =	sadd.s32 $0xFFFFE003, lr  }
0x1b: {  	s9 =	sadd.s32 $0xFFFFFEF7, lr;
	s5 =	simm.s32 $0xFFFFFFFF;
	p2 =	slt.u32 s8, $0xFFFFF086  }
0x1c: {  	p1 =	slt.u32 s9, $0xF7A;
	s5 =	simm.s32 @!p2 $0x0  }
0x1d: {  	s5 =	simm.s32 @p1 $0x1;
	p0 =	seq.s32 s7, s2  }
0x1e: {  	s7 =	smul.u32 @!p0 $0xF7A, s2;
	p2 =	seq.s32 @!p0 s5, $0x0  }
0x1f: {  	s9 =	smul.u32 $0xF7A, s1;
	s8 =	simm.s32 @!p0 $0x1BF5;
	p2 =	por !p2, p0  }
0x20: {  	[sflag:s8] =	ssyncset.s32 @!p0 $0xFFFFF086;
	s6 =	sadd.s32 @!p0 s3, s7;
	s7 =	simm.s32 @!p0 $0x108  }
0x21: {  	s3 =	sadd.s32 s3, s9;
	s6 =	sadd.s32 @!p0 $0x88, s6;
	s7 =	simm.s32 @p2 $0x1082  }
0x22: {  	[simem:s7], [sflag:s8] =	dma.local @!p0 [hbm:s6], $0xF7A  }
0x23: {  	s9 =	sor.u32 $0xD0000000, s2;
	s6 =	simm.s32 $0x108;
	_ =	swait.ge @!p0 [sflag:s8], $0x0  }
0x24: {  	s3 =	sadd.s32 $0x88, s3;
	s6 =	simm.s32 @!p1 $0x1082;
	[sflag:s4] =	ssyncset.s32 $0xFFFFF086  }
0x25: {  	[simem:s6], [sflag:s4] =	dma.local [hbm:s3], $0xF7A  }
0x26: {  	[smem:$0x3F96] =	sst s1;
	(tag) =	ssettag s2;
	_ =	strace s9  }
0x27: {  	s1 =	sld [smem:$0x3FA6]  }
0x28: {  	s2 =	sld [smem:$0x3FA7]  }
0x29: {  	s4 =	sld [smem:$0x3FA9]  }
0x2a: {  	p0 =	seq.s32 s5, $0x0;
	s5 =	sld [smem:$0x3FAA]  }
0x2b: {  	s6 =	sld [smem:$0x3FAB]  }
0x2c: {  	s7 =	sld [smem:$0x3FAC]  }
0x2d: {  	s3 =	simm.s32 $0x108;
	s8 =	sld [smem:$0x3FAD]  }
0x2e: {  	s3 =	simm.s32 @!p0 $0x1082;
	s9 =	sld [smem:$0x3FAE]  }
0x2f: {  	lr =	sadd.s32 s0, s3;
	s0 =	sld [smem:$0x3FA5]  }
0x30: {  	s3 =	sld [smem:$0x3FA8]  }
0x31: {  	[smem:$0x3FB1] =	sst s10  }
0x32: {  	s10 =	sld [smem:$0x3FAF];
	_ =	sdelay $0x3  }
0x33: {  	p0 =	seq.s32 s10, $0x1;
	s10 =	sld [smem:$0x3FB1];
	_ =	sdelay $0x3  }
0x34: {  	[smem:$0x3FB1] =	sst s10  }
0x35: {  	s10 =	sld [smem:$0x3FB0];
	_ =	sdelay $0x3  }
0x36: {  	p1 =	seq.s32 s10, $0x1;
	s10 =	sld [smem:$0x3FB1];
	_ =	sdelay $0x3  }
0x37: {  	[smem:$0x3FB1] =	sst s10  }
0x38: {  	s10 =	sld [smem:$0x3FB2]  }
0x39: {  	_ = 	snop;
	(pc) =	sbr.ind lr, $3  }
0x3a: {  	_ = 	snop  }
0x3b: {  	_ = 	snop  }
0x3c: {  	p2 =	seq.s32 s10, $0x1;
	s10 =	sld [smem:$0x3FB1]  }
0x3d: {  	_ =	shalt  }
0x3e: {  	_ =	shalt  }
0x3f: {  	_ =	shalt  }
0x40: {  	_ =	shalt  }
0x41: {  	_ =	shalt  }
0x42: {  	_ =	shalt  }
0x43: {  	_ =	shalt  }
0x44: {  	_ =	shalt  }
0x45: {  	_ =	shalt  }
0x46: {  	_ =	shalt  }
0x47: {  	_ =	shalt  }
0x48: {  	_ =	shalt  }
0x49: {  	_ =	shalt  }
0x4a: {  	_ =	shalt  }
0x4b: {  	_ =	shalt  }
0x4c: {  	_ =	shalt  }
0x4d: {  	_ =	shalt  }
0x4e: {  	_ =	shalt  }
0x4f: {  	_ =	shalt  }
0x50: {  	_ =	shalt  }
0x51: {  	_ =	shalt  }
0x52: {  	_ =	shalt  }
0x53: {  	_ =	shalt  }
0x54: {  	_ =	shalt  }
0x55: {  	_ =	shalt  }
0x56: {  	_ =	shalt  }
0x57: {  	_ =	shalt  }
0x58: {  	_ =	shalt  }
0x59: {  	_ =	shalt  }
0x5a: {  	_ =	shalt  }
0x5b: {  	_ =	shalt  }
0x5c: {  	_ =	shalt  }
0x5d: {  	_ =	shalt  }
0x5e: {  	_ =	shalt  }
0x5f: {  	_ =	shalt  }
0x60: {  	_ =	shalt  }
0x61: {  	_ =	shalt  }
0x62: {  	_ =	shalt  }
0x63: {  	_ =	shalt  }
0x64: {  	_ =	shalt  }
0x65: {  	_ =	shalt  }
0x66: {  	_ =	shalt  }
0x67: {  	_ =	shalt  }
0x68: {  	_ =	shalt  }
0x69: {  	_ =	shalt  }
0x6a: {  	_ =	shalt  }
0x6b: {  	_ =	shalt  }
0x6c: {  	_ =	shalt  }
0x6d: {  	_ =	shalt  }
0x6e: {  	_ =	shalt  }
0x6f: {  	_ =	shalt  }
0x70: {  	_ =	shalt  }
0x71: {  	_ =	shalt  }
0x72: {  	_ =	shalt  }
0x73: {  	_ =	shalt  }
0x74: {  	_ =	shalt  }
0x75: {  	_ =	shalt  }
0x76: {  	_ =	shalt  }
0x77: {  	_ =	shalt  }
0x78: {  	_ =	shalt  }
0x79: {  	_ =	shalt  }
0x7a: {  	_ =	shalt  }
0x7b: {  	_ =	shalt  }
0x7c: {  	_ =	shalt  }
0x7d: {  	_ =	shalt  }
0x7e: {  	_ =	shalt  }
0x7f: {  	_ =	shalt  }
0x80: {  	_ =	shalt  }
0x81: {  	_ =	shalt  }
0x82: {  	_ =	shalt  }
0x83: {  	_ =	shalt  }
0x84: {  	_ =	shalt  }
0x85: {  	_ =	shalt  }
0x86: {  	_ =	shalt  }
0x87: {  	_ =	shalt  }
.Lfunc_end0:
.L_simem_size_0:
called_computation_lowered:
.L_overlay_start_0:
0x88: {  	s2 =	sld [smem:$0x3FD9]  }
0x89: {  	s3 =	sld [smem:$0x3FFE];
	_ =	sdelay $0x1  }
0x8a: {  	s1 =	srdreg.scid  }
0x8b: {  	s0 =	sand.u32 $0x1, s1  }
0x8c: {  	s17 =	sshll.u32 s0, $0xA;
	s2 =	sadd.s32 s3, s2  }
0x8d: {  	s2 =	sadd.s32 s2, s17  }
0x8e: {  	[smem:$0x3FBD] =	sst s2  }
0x8f: {  	_ = 	snop  }
0x90: {  	(tm) =	ssettm $0x1  }
0x91: {  	s18 =	sld [smem:$0x3FFB];
	_ =	sdelay $0x3  }
0x92: {  	_ =	strace s18  }
0x93: {  	s2 =	sld [smem:$0x3FFC];
	_ =	sdelay $0x3  }
0x94: {  	_ =	strace s2  }
0x95: {  	s2 =	sld [smem:$0x3FFD];
	_ =	sdelay $0x3  }
0x96: {  	_ =	strace s2  }
0x97: {  	_ =	strace $0x8FFFFFFF  }
0x98: {  	s19 =	sld [smem:$0x3FDB];
	_ =	sdelay $0x1  }
0x99: {  	s20 =	simm.s32 $_scs_section_size  }
0x9a: {  	s4 =	simm.s32 $_size__tile_overlayer_lowered;
	s5 =	simm.s32 $_tile_overlayer_lowered  }
0x9b: {  	s6 =	simm.s32 $0x1BFF;
	s21 =	sshll.u32 s5, $0x1;
	s3 =	sadd.s32 s20, s19  }
0x9c: {  	s22 =	simm.s32 $0x0;
	s4 =	sshll.u32 s4, $0x1;
	s5 =	sadd.s32 s21, s3  }
0x9d: {  	[timem:s22], [sflag:s6] =	dma.local [hbm:s5], s4  }
0x9e: {  	_ =	swait.ge [sflag:s6], s4  }
0x9f: {  	s4 =	ssub.s32 $0x0, s4;
	[sflag:s6] =	ssyncset.done $0x0  }
0xa0: {  	[sflag:s6] =	ssyncadd.s32 s4;
	_ =	sdelay $0x1  }
0xa1: {  	s23 =	simm.s32 $0x1B8B  }
0xa2: {  	_ =	swait.ge [sflag:s23], $0x1  }
0xa3: {  	[sflag:s23] =	ssyncset.done $0x0  }
0xa4: {  	[sflag:s23] =	ssyncadd.s32 $0xFFFFFFFF  }
0xa5: {  	s4 =	sld [smem:$0x0]  }
0xa6: {  	s5 =	sand.u32 $0xFFFFFFFE, s1  }
0xa7: {  	p0 =	sne.s32 s1, s5  }
0xa8: {  	s5 =	sshll.u32 @p0 s5, $0xE  }
0xa9: {  	s5 =	sadd.s32 @p0 $0x11B8D, s5;
	s6 =	sshll.u32 @p0 s4, $0x11  }
0xaa: {  	s5 =	sor.u32 @p0 s6, s5  }
0xab: {  	[sflag:s5] =	ssyncadd.remote.s32 @p0 $0x1;
	_ =	sdelay $0x1  }
0xac: {  	s5 =	simm.s32 @p0 $0x1B8D  }
0xad: {  	_ =	swait.eq @p0 [sflag:s5], $0x1  }
0xae: {  	[sflag:s5] =	ssyncadd.s32 @p0 $0xFFFFFFFF  }
0xaf: {  	s6 =	sshll.u32 @!p0 s1, $0xE  }
0xb0: {  	s6 =	sor.u32 @!p0 $0x4000, s6;
	s5 =	simm.s32 @!p0 $0x1B8D  }
0xb1: {  	s4 =	sshll.u32 @!p0 s4, $0x11;
	s6 =	sadd.s32 @!p0 $0x11B8D, s6;
	_ =	swait.eq @!p0 [sflag:s5], $0x1  }
0xb2: {  	s4 =	sor.u32 @!p0 s4, s6;
	[sflag:s5] =	ssyncadd.s32 @!p0 $0xFFFFFFFF  }
0xb3: {  	s25 =	simm.s32 $0x1B8E;
	s24 =	sld [smem:$0x3FFE];
	[sflag:s4] =	ssyncadd.remote.s32 @!p0 $0x1  }
0xb4: {  	s26 =	simm.s32 $execute0_lowered;
	[smem:$0x3FD2] =	sst s25  }
0xb5: {  	s5 =	sshll.u32 s26, $0x1;
	_ =	strace $0x80000049;
	[dreg:$0x1] =	wrdreg $0xFFFFFFFF  }
0xb6: {  	s28 =	simm.s32 $_size_execute0_lowered;
	s3 =	sadd.s32 s3, s5;
	[dreg:$0x0] =	wrdreg $0x0  }
0xb7: {  	s5 =	sshll.u32 s28, $0x1;
	[dreg:$0x2] =	wrdreg s3  }
0xb8: {  	[dreg:$0x3] =	wrdreg s5  }
0xb9: {  	[dreg:$0x4] =	wrdreg $0xC0  }
0xba: {  	_ =	task [dreg:s22], $0x5FFFF  }
0xbb: {  	[dreg:$0x1] =	wrdreg $0xFFFFFFFF  }
0xbc: {  	[dreg:$0x0] =	wrdreg $0x60  }
0xbd: {  	[dreg:$0x2] =	wrdreg s24  }
0xbe: {  	[dreg:$0x3] =	wrdreg $0x9  }
0xbf: {  	_ =	task.clear_ibuf [dreg:s22], $0x4FFFF;
	_ =	strace $0x90000049  }
0xc0: {  	s29 =	simm.s32 $0x9;
	_ =	strace $0x8000004B  }
0xc1: {  	_ =	swait.ge [sflag:s29], $0x1  }
0xc2: {  	[sflag:s29] =	ssyncadd.s32 $0xFFFFFFFF  }
0xc3: {  	_ =	strace $0x9000004B  }
0xc4: {  	_ =	sfence  }
0xc5: {  	s30 =	sld [smem:$0x0];
	_ =	sdelay $0x2  }
0xc6: {  	s31 =	sshll.u32 s1, $0xD;
	s1 =	sshrl.u32 s1, $0x2  }
0xc7: {  	s4 =	sand.u32 $0x4000, s31;
	s1 =	sadd.s32 s1, s30  }
0xc8: {  	s0 =	sor.u32 s4, s0;
	s1 =	sshll.u32 s1, $0x11  }
0xc9: {  	s0 =	sor.u32 s1, s0  }
0xca: {  	s0 =	sadd.s32 $0x8F2B, s0  }
0xcb: {  	[sflag:s0] =	ssyncadd.remote.s32 $0x1  }
0xcc: {  	_ =	sfence.sel $0xFFFF  }
0xcd: {  	[dreg:$0x0] =	wrdreg $0xFFFFFFFF;
	(pc) =	sbr.abs _section_cstart, $3  }
0xce: {  	[dreg:$0x1] =	wrdreg $0xFFFFFFFF  }
0xcf: {  	_ =	task.clear_ibuf [dreg:s22], $0x2FFFF;
	_ =	strace $0x9FFFFFFF  }
0xd0: {  	(tm) =	ssettm $0x7FFFFFFF  }
0xd1: {  	_ =	shalt  }
tec
execute0_lowered:
.L_overlay_start_1:
0x0: {  	(tag) =	ssettag $0x1  }
0x1: {  	s0 =	rddreg [dreg:$0x0];
	s1 =	simm.s32 $0x0;
	s2 =	srdreg.scid  }
0x2: {  	s31 =	stileid.u32;
	s14 =	simm.s32 $0x1;
	s16 =	simm.s32 $0x200  }
0x3: {  	s17 =	simm.s32 $0x300;
	s18 =	simm.s32 $0x400;
	s19 =	simm.s32 $0x3400  }
0x4: {  	s20 =	simm.s32 $0x3500;
	s21 =	simm.s32 $0x3600;
	s22 =	simm.s32 $0x3700  }
0x5: {  	s23 =	simm.s32 $0x3800;
	s24 =	simm.s32 $0x0;
	[smem:$0x7FF] =	sst s1  }
0x6: {  	s7 =	sadd.s32 $0x5400, s0;
	s4 =	sand.u32 $0x1, s2;
	s3 =	sadd.s32 $0x7400, s0  }
0x7: {  	s8 =	sshll.u32 s31, $0x6;
	s5 =	ssub.s32 $0x2, s4;
	s4 =	sshll.u32 s4, $0x5  }
0x8: {  	s0 =	sadd.s32 $0x7A00, s0;
	s6 =	sshrl.u32 s5, $0x1;
	s8 =	sor.u32 s4, s8  }
0x9: {  	_ =	strace $0x8000004A;
	s13 =	ssub.s32 s5, s6;
	s4 =	sadd.s32 s7, s8  }
0xa: {  	s9 =	sor.u32 $0x400, s8;
	s10 =	sor.u32 $0x800, s8;
	s11 =	sor.u32 $0xC00, s8  }
0xb: {  	s8 =	sadd.s32 s0, s8;
	s5 =	sadd.s32 s7, s9;
	s6 =	sadd.s32 s7, s10  }
0xc: {  	s7 =	sadd.s32 s7, s11;
	s9 =	sadd.s32 s0, s9;
	s10 =	sadd.s32 s0, s10  }
0xd: {  	s11 =	sadd.s32 s0, s11;
	s12 =	sadd.s32 $0x1000, s8;
	s13 =	smax.u32 s13, $0x1  }
.LBB2_1:
0xe: {  	[tilespmem:s1], [sflag:$0x1] =	stream.linear.gather [hbm4b:s4+s1], $0x100, $0x38;
	[tilespmem:$0x3900] =	vst v63  }
0xf: {  	_ =	swait.ge [sflag:s14], $0x100  }
0x10: {  	[sflag:s14] =	ssyncset.done $0x0  }
0x11: {  	s0 =	simm.s32 $0x100;
	[sflag:s14] =	ssyncadd.s32 $0xFFFFFF00  }
0x12: {  	[tilespmem:s0], [sflag:$0x1] =	stream.linear.gather [hbm4b:s5+s1], $0x100, $0x38;
	[tilespmem:$0x3900] =	vst v63  }
0x13: {  	_ =	swait.ge [sflag:s14], $0x100  }
0x14: {  	[sflag:s14] =	ssyncset.done $0x0  }
0x15: {  	[sflag:s14] =	ssyncadd.s32 $0xFFFFFF00  }
0x16: {  	[tilespmem:s16], [sflag:$0x1] =	stream.linear.gather [hbm4b:s6+s1], $0x100, $0x38;
	[tilespmem:$0x3900] =	vst v63  }
0x17: {  	_ =	swait.ge [sflag:s14], $0x100  }
0x18: {  	[sflag:s14] =	ssyncset.done $0x0  }
0x19: {  	[sflag:s14] =	ssyncadd.s32 $0xFFFFFF00  }
0x1a: {  	[tilespmem:s17], [sflag:$0x1] =	stream.linear.gather [hbm4b:s7+s1], $0x100, $0x38;
	[tilespmem:$0x3900] =	vst v63  }
0x1b: {  	_ =	swait.ge [sflag:s14], $0x100  }
0x1c: {  	[sflag:s14] =	ssyncset.done $0x0  }
0x1d: {  	[sflag:s14] =	ssyncadd.s32 $0xFFFFFF00  }
0x1e: {  	[tilespmem:s18], [sflag:$0x1] =	stream.linear.gather [hbm4b:s3+s1], $0x3000, $0x38;
	[tilespmem:$0x3900] =	vst v63  }
0x1f: {  	_ =	swait.ge [sflag:s14], $0x3000  }
0x20: {  	[sflag:s14] =	ssyncset.done $0x0  }
0x21: {  	s25 =	simm.s32 $0x0;
	[sflag:s14] =	ssyncadd.s32 $0xFFFFD000  }
.LBB2_2:
0x22: {  	s26 =	sshll.u32 s25, $0x4  }
0x23: {  	v2 =	vld [tilespmem:s26+$0x0]  }
0x24: {  	v3 =	vld [tilespmem:s26+$0x100]  }
0x25: {  	v0 =	vld [tilespmem:s26+$0x200]  }
0x26: {  	s0 =	simm.s32 $0x0;
	s28 =	simm.s32 $0x400;
	v1 =	vld [tilespmem:s26+$0x300]  }
0x27: {  	v4 =	vld [tilespmem:s28+$0x0];
	s0 =	sand.u32 $0xFE0, s0  }
0x28: {  	v5 =	vld [tilespmem:s0+$0x1400]  }
0x29: {  	v6 =	vld [tilespmem:s28+$0x1010]  }
0x2a: {  	v7 =	vld [tilespmem:s28+$0x10];
	_ =	sdelay $0x1  }
0x2b: {  	v2 =	vmul.f32 v2, v2;
	v3 =	vmul.f32 v3, v3  }
0x2c: {  	v4 =	vmul.f32 v4, v0;
	v5 =	vmul.f32 v5, v1  }
0x2d: {  	v8 =	vld [tilespmem:s0+$0x2400];
	v2 =	vadd.f32 v3, v2  }
0x2e: {  	v3 =	vadd.f32 v5, v4;
	v4 =	vmul.f32 v6, v1;
	v5 =	vmul.f32 v7, v0  }
0x2f: {  	v6 =	vld [tilespmem:s28+$0x2010]  }
0x30: {  	v3 =	vadd.f32 v3, v2;
	v4 =	vadd.f32 v4, v5;
	_ =	sdelay $0x1  }
0x31: {  	v12 =	vadd.f32 v3, v8;
	v3 =	vadd.f32 v4, v2  }
0x32: {  	v14 =	vimm.f32 $+Inf;
	v11 =	vimm.s32 $0x0;
	v15 =	vimm.s32 $0x0  }
0x33: {  	v8 =	vimm.s32 $0x0;
	vm0 =	vlt.f32 v12, v14;
	v3 =	vadd.f32 v3, v6  }
0x34: {  	s0 =	simm.s32 $0x0;
	v16 =	vmax.f32 v14, v12;
	v13 =	vmin.f32 v14, v12;
	v6 =	vimm.f32 $+Inf  }
0x35: {  	v7 =	vsel vm0, s0, v8;
	v9 =	vmin.f32 v14, v16;
	v10 =	vmin.f32 v14, v16  }
0x36: {  	s29 =	simm.s32 $0x3;
	v4 =	vnsel vm0, s0, v8;
	vm3 =	vmmov vm0;
	vm2 =	vmmov vm0  }
0x37: {  	s30 =	simm.s32 $0x20;
	s31 =	simm.s32 $0x420;
	s28 =	simm.s32 $0x1;
	vm1 =	vmmov vm0;
	v5 =	vsel vm0, v4, v8;
	v4 =	vimm.s32 $0x0  }
.LBB2_3:
0x38: {  	s2 =	sand.u32 $0xFE0, s30  }
0x39: {  	v17 =	vld [tilespmem:s31+$0x0];
	p0 =	sne.s32 s29, $0xF9;
	v16 =	vmin.f32 v14, v16;
	v12 =	vmax.f32 v14, v12;
	v14 =	vnsel vm0, s0, v8;
	s15 =	smov.u32 s29;
	s29 =	sadd.s32 $0x2, s29  }
0x3a: {  	v18 =	vld [tilespmem:s2+$0x1400];
	v11 =	vsel vm3, v14, v11;
	vm3 =	vlt.f32 v3, v16;
	v14 =	vmax.f32 v16, v3  }
0x3b: {  	v6 =	vmin.f32 v6, v12;
	v12 =	vnsel vm2, s0, v15;
	v15 =	vnsel vm1, s0, v4;
	v19 =	vld [tilespmem:s31+$0x1010]  }
0x3c: {  	v21 =	vmin.f32 v13, v3;
	vm2 =	vlt.f32 v3, v6;
	v6 =	vmin.f32 v6, v14;
	v20 =	vld [tilespmem:s31+$0x10]  }
0x3d: {  	vm4 =	vlt.f32 v3, v10;
	v8 =	vsel vm0, v15, v8;
	vm0 =	vlt.f32 v3, v9  }
0x3e: {  	vm5 =	vlt.f32 v3, v13;
	v14 =	vmax.f32 v9, v3;
	v15 =	vmax.f32 v10, v3  }
0x3f: {  	v3 =	vmax.f32 v13, v3;
	v17 =	vmul.f32 v17, v0;
	v18 =	vmul.f32 v18, v1  }
0x40: {  	v22 =	vnsel vm5, s28, v7;
	v23 =	vnsel vm3, s28, v8;
	v13 =	vld [tilespmem:s2+$0x2400];
	v19 =	vmul.f32 v19, v1  }
0x41: {  	v11 =	vsel vm2, v23, v11;
	v17 =	vadd.f32 v18, v17;
	v18 =	vmul.f32 v20, v0  }
0x42: {  	v12 =	vsel vm1, v12, v4;
	v4 =	vnsel vm0, s28, v5;
	v23 =	vsel vm5, s28, v7;
	v20 =	vld [tilespmem:s31+$0x2010]  }
0x43: {  	v7 =	vadd.f32 v17, v2;
	v17 =	vadd.f32 v19, v18;
	v18 =	vmin.f32 v10, v14  }
0x44: {  	v9 =	vmin.f32 v9, v3;
	v3 =	vnsel vm4, s28, v12;
	v4 =	vsel vm4, v4, v12;
	s28 =	smov.u32 s15  }
0x45: {  	v8 =	vsel vm3, v3, v8;
	v12 =	vadd.f32 v7, v13;
	v7 =	vadd.f32 v17, v2  }
0x46: {  	v14 =	vmin.f32 v16, v15;
	v15 =	vsel vm0, v22, v5  }
.Ltmp0:
0x47: {  	s0 =	sadd.s32 $0xFFFFFFFF, s28;
	vm1 =	vlt.f32 v12, v21;
	vm2 =	vlt.f32 v12, v9;
	v3 =	vadd.f32 v7, v20;
	(pc) =	sbr.rel @p0 .LBB2_3-.Ltmp0, $4  }
0x48: {  	v5 =	vmax.f32 v21, v12;
	v10 =	vmax.f32 v9, v12;
	v7 =	vsel vm1, s0, v23  }
0x49: {  	vm3 =	vlt.f32 v12, v6;
	v9 =	vmin.f32 v9, v5;
	v10 =	vmin.f32 v18, v10  }
0x4a: {  	vm0 =	vlt.f32 v12, v14;
	v16 =	vmax.f32 v18, v12;
	v5 =	vnsel vm1, s0, v23  }
0x4b: {  	s30 =	sadd.s32 $0x20, s30;
	s31 =	sadd.s32 $0x20, s31;
	v13 =	vmin.f32 v21, v12;
	vm1 =	vlt.f32 v12, v18;
	v5 =	vsel vm2, v5, v15  }
0x4c: {  	v0 =	vnsel vm0, s0, v8  }
0x4d: {  	v1 =	vmin.f32 v14, v16;
	v2 =	vmax.f32 v14, v12;
	v57 =	vnsel vm2, s0, v15  }
0x4e: {  	v58 =	vnsel vm1, s0, v4;
	vm14 =	vlt.f32 v3, v9;
	vm4 =	vlt.f32 v3, v13  }
0x4f: {  	vm5 =	vlt.f32 v3, v10;
	s25 =	sadd.s32 $0x1, s25;
	v0 =	vsel vm3, v0, v11;
	vm13 =	vlt.f32 v3, v1  }
0x50: {  	v56 =	vmin.f32 v6, v2;
	v59 =	vnsel vm4, s28, v7;
	v60 =	vsel vm4, s28, v7;
	p0 =	sne.s32 s25, $0x10  }
.Ltmp1:
0x51: {  	v2 =	vsel vm1, v57, v4;
	v61 =	vnsel vm14, s28, v5;
	v62 =	vsel vm14, v59, v5;
	[tilespmem:s26+$0x3400] =	vst v60;
	(pc) =	sbr.rel @p0 .LBB2_2-.Ltmp1, $4  }
0x52: {  	v6 =	vsel vm0, v58, v8;
	v4 =	vsel vm5, v61, v2;
	v2 =	vnsel vm5, s28, v2;
	[tilespmem:s26+$0x3500] =	vst v62  }
0x53: {  	vm15 =	vlt.f32 v3, v56;
	v63 =	vnsel vm13, s28, v6;
	v2 =	vsel vm13, v2, v6;
	[tilespmem:s26+$0x3600] =	vst v4  }
0x54: {  	v0 =	vsel vm15, v63, v0;
	[tilespmem:s26+$0x3700] =	vst v2  }
0x55: {  	[tilespmem:s26+$0x3800] =	vst v0  }
0x56: {  	[hbm4b:s8+s1] =	stream.linear.scatter [tilespmem:s19], [sflag:$0x1], $0x100, $0x38;
	[tilespmem:$0x3900] =	vst v63  }
0x57: {  	_ =	swait.ge [sflag:s14], $0x100  }
0x58: {  	[sflag:s14] =	ssyncset.done $0x0  }
0x59: {  	[sflag:s14] =	ssyncadd.s32 $0xFFFFFF00  }
0x5a: {  	[hbm4b:s9+s1] =	stream.linear.scatter [tilespmem:s20], [sflag:$0x1], $0x100, $0x38;
	[tilespmem:$0x3900] =	vst v63  }
0x5b: {  	_ =	swait.ge [sflag:s14], $0x100  }
0x5c: {  	[sflag:s14] =	ssyncset.done $0x0  }
0x5d: {  	[sflag:s14] =	ssyncadd.s32 $0xFFFFFF00  }
0x5e: {  	[hbm4b:s10+s1] =	stream.linear.scatter [tilespmem:s21], [sflag:$0x1], $0x100, $0x38;
	[tilespmem:$0x3900] =	vst v63  }
0x5f: {  	_ =	swait.ge [sflag:s14], $0x100  }
0x60: {  	[sflag:s14] =	ssyncset.done $0x0  }
0x61: {  	[sflag:s14] =	ssyncadd.s32 $0xFFFFFF00  }
0x62: {  	[hbm4b:s11+s1] =	stream.linear.scatter [tilespmem:s22], [sflag:$0x1], $0x100, $0x38;
	[tilespmem:$0x3900] =	vst v63  }
0x63: {  	s24 =	sadd.s32 $0x1, s24;
	_ =	swait.ge [sflag:s14], $0x100  }
0x64: {  	p0 =	sne.s32 s24, s13;
	[sflag:s14] =	ssyncset.done $0x0  }
.Ltmp2:
0x65: {  	[sflag:s14] =	ssyncadd.s32 $0xFFFFFF00;
	(pc) =	sbr.rel @p0 .LBB2_1-.Ltmp2, $4  }
0x66: {  	[hbm4b:s12+s1] =	stream.linear.scatter [tilespmem:s23], [sflag:$0x1], $0x100, $0x38;
	[tilespmem:$0x3900] =	vst v63  }
0x67: {  	_ =	swait.ge [sflag:s14], $0x100  }
0x68: {  	[sflag:s14] =	ssyncset.done $0x0  }
0x69: {  	[sflag:s14] =	ssyncadd.s32 $0xFFFFFF00  }
0x6a: {  	_ =	sfence.sel $0x180000  }
0x6b: {  	[bflag:$0x0] =	sbarrier.arrive $0xFFFF  }
0x6c: {  	_ =	strace $0x9000004A  }
0x6d: {  	s0 =	stileid.u32;
	[bflag:$0x2] =	sbarrier.arrive $0xFFFF  }
0x6e: {  	p0 =	sne.s32 s0, $0x0;
	s0 =	rddreg [dreg:$0x1]  }
0x6f: {  	s0 =	sadd.s32 @!p0 $0x100000, s0  }
0x70: {  	[sflag:s0] =	ssyncadd.tile.s32 @!p0 $0x1;
	_ =	shalt  }
.Lfunc_end2:
_tile_overlayer_lowered:
.L_overlay_start_2:
0x71: {  	(tag) =	ssettag $0x2  }
0x72: {  	s0 =	rddreg [dreg:$0x0];
	s2 =	stileid.u32  }
0x73: {  	s1 =	rddreg [dreg:$0x1];
	p0 =	sne.s32 s2, $0x0  }
0x74: {  	s3 =	rddreg [dreg:$0x2];
	[bflag:$0x3] =	sbarrier.arrive $0xFFFF;
	s2 =	simm.s32 @!p0 $0x1C01  }
0x75: {  	[timem:s3], [sflag:s2] =	dma.local @!p0 [hbm:s0], s1  }
0x76: {  	s0 =	simm.s32 @!p0 $0x1  }
0x77: {  	_ =	swait.ge @!p0 [sflag:s0], s1  }
0x78: {  	s1 =	ssub.s32 @!p0 $0x0, s1;
	[sflag:s0] =	ssyncset.done @!p0 $0x0  }
0x79: {  	[sflag:s0] =	ssyncadd.s32 @!p0 s1  }
0x7a: {  	[bflag:$0x3] =	sbarrier.arrive $0xFFFF  }
0x7b: {  	_ =	shalt  }

</sc_bundles>
